<compile_context>
chip_gen: v7x
topology: tpu7x:2x2x1
jax: 0.10.2.dev20260603
libtpu: 0.0.44.dev20260713+nightly
codegen_flags: <defaults>
</compile_context>

<pallas_src>
import functools

import jax
import jax.numpy as jnp
from jax import lax
from jax.experimental import pallas as pl
from jax.experimental.pallas import tpu as pltpu
from jax.experimental.pallas import tpu_sc as plsc

_SEG = 128
_NSEG = 26
_F = _SEG * _NSEG
_B = 16384
_NW = 32
_ROWS = _B // _NW


def _permute_body(in_hbm, out_hbm, sem):
    wid = lax.axis_index("s") * 2 + lax.axis_index("c")
    base = wid * _ROWS
    copies = []
    for j in range(_NSEG):
        src_col = (_NSEG - 1 - j) * _SEG
        copies.append(pltpu.make_async_copy(
            in_hbm.at[pl.ds(base, _ROWS), pl.ds(src_col, _SEG)],
            out_hbm.at[pl.ds(base, _ROWS), pl.ds(j * _SEG, _SEG)],
            sem,
        ))
    for c in copies:
        c.start()
    for c in copies:
        c.wait()


@jax.jit
def kernel(pooled_embs):
    run = pl.kernel(
        _permute_body,
        out_type=jax.ShapeDtypeStruct((_B, _F), jnp.float32),
        mesh=plsc.VectorSubcoreMesh(core_axis_name="c", subcore_axis_name="s"),
        scratch_types=[pltpu.SemaphoreType.DMA],
    )
    return run(pooled_embs)

# --- scband reference (transcript-rebuilt; emitter-appended) ---
"""Pipeline reference for scband-permute-pooled-embeddings-12472585028200 (READ-ONLY COPY).

The authoritative reference and input builder live on the scoring server;
editing this copy changes nothing except your own understanding.
"""

import jax, jax.numpy as jnp
import numpy as np

EMBS_DIMS = [128] * 26
PERMUTE = list(range(25, -1, -1))
OFFSETS = [0] + list(np.cumsum(EMBS_DIMS))
BATCH = 16384


def setup_inputs(seed: int = 0) -> dict:
    key = jax.random.key(seed)
    pooled_embs = jax.random.normal(key, (BATCH, sum(EMBS_DIMS)), dtype=jnp.float32)
    return {"pooled_embs": pooled_embs}


def reference(pooled_embs):
    # Faithful translation of fbgemm.permute_pooled_embs_auto_grad forward:
    # the pooled embedding row is a concatenation of per-table pooled segments
    # of widths EMBS_DIMS; the op reorders those segments according to PERMUTE.
    pieces = [pooled_embs[:, OFFSETS[p]:OFFSETS[p + 1]] for p in PERMUTE]
    return jnp.concatenate(pieces, axis=1)

if __name__ == "__main__":
    import jax
    _d = setup_inputs()
    print(jax.jit(kernel)(*tuple(_d.values())))

</pallas_src>

<mosaic_0001>
#map = affine_map<(d0, d1) -> (0, 0)>
module attributes {stable_mosaic.version = 14 : i64} {
  func.func @_permute_body(%arg0: i32, %arg1: i32, %arg2: memref<16384x3328xf32, #tpu.memory_space<hbm>>, %arg3: memref<16384x3328xf32, #tpu.memory_space<hbm>>, %arg4: memref<!tpu.dma_semaphore, #tpu.memory_space<semaphore_mem>>) attributes {dimension_semantics = [#tpu.dimension_semantics<core_parallel>, #tpu.dimension_semantics<subcore_parallel>], iteration_bounds = array<i64: 2, 16>, scalar_prefetch = 0 : i64, scratch_operands = 1 : i64, tpu.core_type = #tpu.core_type<sc_vector_subcore>, window_params = [{transform_indices = #map}, {transform_indices = #map}]} {
    %mul3A = arith.constant 2 : i32
    %mul3A_0 = arith.muli %arg1, %mul3A : i32
    %add3A = arith.addi %mul3A_0, %arg0 : i32
    %mul3A_1 = arith.constant 512 : i32
    %mul3A_2 = arith.muli %add3A, %mul3A_1 : i32
    %dma_start3A = arith.constant 0 : i32
    %dma_start3A_3 = tpu.memref_slice %arg3[%mul3A_2, %dma_start3A] : memref<16384x3328xf32, #tpu.memory_space<hbm>> -> memref<512x128xf32, #tpu.memory_space<hbm>>
    %dma_start3A_4 = arith.constant 3200 : i32
    %dma_start3A_5 = tpu.memref_slice %arg2[%mul3A_2, %dma_start3A_4] : memref<16384x3328xf32, #tpu.memory_space<hbm>> -> memref<512x128xf32, #tpu.memory_space<hbm>>
    tpu.enqueue_dma source(%dma_start3A_5 : memref<512x128xf32, #tpu.memory_space<hbm>>) target(%dma_start3A_3 : memref<512x128xf32, #tpu.memory_space<hbm>>) target_semaphore(%arg4 : memref<!tpu.dma_semaphore, #tpu.memory_space<semaphore_mem>>)
    %dma_start3A_6 = arith.constant 128 : i32
    %dma_start3A_7 = tpu.memref_slice %arg3[%mul3A_2, %dma_start3A_6] : memref<16384x3328xf32, #tpu.memory_space<hbm>> -> memref<512x128xf32, #tpu.memory_space<hbm>>
    %dma_start3A_8 = arith.constant 3072 : i32
    %dma_start3A_9 = tpu.memref_slice %arg2[%mul3A_2, %dma_start3A_8] : memref<16384x3328xf32, #tpu.memory_space<hbm>> -> memref<512x128xf32, #tpu.memory_space<hbm>>
    tpu.enqueue_dma source(%dma_start3A_9 : memref<512x128xf32, #tpu.memory_space<hbm>>) target(%dma_start3A_7 : memref<512x128xf32, #tpu.memory_space<hbm>>) target_semaphore(%arg4 : memref<!tpu.dma_semaphore, #tpu.memory_space<semaphore_mem>>)
    %dma_start3A_10 = arith.constant 256 : i32
    %dma_start3A_11 = tpu.memref_slice %arg3[%mul3A_2, %dma_start3A_10] : memref<16384x3328xf32, #tpu.memory_space<hbm>> -> memref<512x128xf32, #tpu.memory_space<hbm>>
    %dma_start3A_12 = arith.constant 2944 : i32
    %dma_start3A_13 = tpu.memref_slice %arg2[%mul3A_2, %dma_start3A_12] : memref<16384x3328xf32, #tpu.memory_space<hbm>> -> memref<512x128xf32, #tpu.memory_space<hbm>>
    tpu.enqueue_dma source(%dma_start3A_13 : memref<512x128xf32, #tpu.memory_space<hbm>>) target(%dma_start3A_11 : memref<512x128xf32, #tpu.memory_space<hbm>>) target_semaphore(%arg4 : memref<!tpu.dma_semaphore, #tpu.memory_space<semaphore_mem>>)
    %dma_start3A_14 = arith.constant 384 : i32
    %dma_start3A_15 = tpu.memref_slice %arg3[%mul3A_2, %dma_start3A_14] : memref<16384x3328xf32, #tpu.memory_space<hbm>> -> memref<512x128xf32, #tpu.memory_space<hbm>>
    %dma_start3A_16 = arith.constant 2816 : i32
    %dma_start3A_17 = tpu.memref_slice %arg2[%mul3A_2, %dma_start3A_16] : memref<16384x3328xf32, #tpu.memory_space<hbm>> -> memref<512x128xf32, #tpu.memory_space<hbm>>
    tpu.enqueue_dma source(%dma_start3A_17 : memref<512x128xf32, #tpu.memory_space<hbm>>) target(%dma_start3A_15 : memref<512x128xf32, #tpu.memory_space<hbm>>) target_semaphore(%arg4 : memref<!tpu.dma_semaphore, #tpu.memory_space<semaphore_mem>>)
    %dma_start3A_18 = arith.constant 512 : i32
    %dma_start3A_19 = tpu.memref_slice %arg3[%mul3A_2, %dma_start3A_18] : memref<16384x3328xf32, #tpu.memory_space<hbm>> -> memref<512x128xf32, #tpu.memory_space<hbm>>
    %dma_start3A_20 = arith.constant 2688 : i32
    %dma_start3A_21 = tpu.memref_slice %arg2[%mul3A_2, %dma_start3A_20] : memref<16384x3328xf32, #tpu.memory_space<hbm>> -> memref<512x128xf32, #tpu.memory_space<hbm>>
    tpu.enqueue_dma source(%dma_start3A_21 : memref<512x128xf32, #tpu.memory_space<hbm>>) target(%dma_start3A_19 : memref<512x128xf32, #tpu.memory_space<hbm>>) target_semaphore(%arg4 : memref<!tpu.dma_semaphore, #tpu.memory_space<semaphore_mem>>)
    %dma_start3A_22 = arith.constant 640 : i32
    %dma_start3A_23 = tpu.memref_slice %arg3[%mul3A_2, %dma_start3A_22] : memref<16384x3328xf32, #tpu.memory_space<hbm>> -> memref<512x128xf32, #tpu.memory_space<hbm>>
    %dma_start3A_24 = arith.constant 2560 : i32
    %dma_start3A_25 = tpu.memref_slice %arg2[%mul3A_2, %dma_start3A_24] : memref<16384x3328xf32, #tpu.memory_space<hbm>> -> memref<512x128xf32, #tpu.memory_space<hbm>>
    tpu.enqueue_dma source(%dma_start3A_25 : memref<512x128xf32, #tpu.memory_space<hbm>>) target(%dma_start3A_23 : memref<512x128xf32, #tpu.memory_space<hbm>>) target_semaphore(%arg4 : memref<!tpu.dma_semaphore, #tpu.memory_space<semaphore_mem>>)
    %dma_start3A_26 = arith.constant 768 : i32
    %dma_start3A_27 = tpu.memref_slice %arg3[%mul3A_2, %dma_start3A_26] : memref<16384x3328xf32, #tpu.memory_space<hbm>> -> memref<512x128xf32, #tpu.memory_space<hbm>>
    %dma_start3A_28 = arith.constant 2432 : i32
    %dma_start3A_29 = tpu.memref_slice %arg2[%mul3A_2, %dma_start3A_28] : memref<16384x3328xf32, #tpu.memory_space<hbm>> -> memref<512x128xf32, #tpu.memory_space<hbm>>
    tpu.enqueue_dma source(%dma_start3A_29 : memref<512x128xf32, #tpu.memory_space<hbm>>) target(%dma_start3A_27 : memref<512x128xf32, #tpu.memory_space<hbm>>) target_semaphore(%arg4 : memref<!tpu.dma_semaphore, #tpu.memory_space<semaphore_mem>>)
    %dma_start3A_30 = arith.constant 896 : i32
    %dma_start3A_31 = tpu.memref_slice %arg3[%mul3A_2, %dma_start3A_30] : memref<16384x3328xf32, #tpu.memory_space<hbm>> -> memref<512x128xf32, #tpu.memory_space<hbm>>
    %dma_start3A_32 = arith.constant 2304 : i32
    %dma_start3A_33 = tpu.memref_slice %arg2[%mul3A_2, %dma_start3A_32] : memref<16384x3328xf32, #tpu.memory_space<hbm>> -> memref<512x128xf32, #tpu.memory_space<hbm>>
    tpu.enqueue_dma source(%dma_start3A_33 : memref<512x128xf32, #tpu.memory_space<hbm>>) target(%dma_start3A_31 : memref<512x128xf32, #tpu.memory_space<hbm>>) target_semaphore(%arg4 : memref<!tpu.dma_semaphore, #tpu.memory_space<semaphore_mem>>)
    %dma_start3A_34 = arith.constant 1024 : i32
    %dma_start3A_35 = tpu.memref_slice %arg3[%mul3A_2, %dma_start3A_34] : memref<16384x3328xf32, #tpu.memory_space<hbm>> -> memref<512x128xf32, #tpu.memory_space<hbm>>
    %dma_start3A_36 = arith.constant 2176 : i32
    %dma_start3A_37 = tpu.memref_slice %arg2[%mul3A_2, %dma_start3A_36] : memref<16384x3328xf32, #tpu.memory_space<hbm>> -> memref<512x128xf32, #tpu.memory_space<hbm>>
    tpu.enqueue_dma source(%dma_start3A_37 : memref<512x128xf32, #tpu.memory_space<hbm>>) target(%dma_start3A_35 : memref<512x128xf32, #tpu.memory_space<hbm>>) target_semaphore(%arg4 : memref<!tpu.dma_semaphore, #tpu.memory_space<semaphore_mem>>)
    %dma_start3A_38 = arith.constant 1152 : i32
    %dma_start3A_39 = tpu.memref_slice %arg3[%mul3A_2, %dma_start3A_38] : memref<16384x3328xf32, #tpu.memory_space<hbm>> -> memref<512x128xf32, #tpu.memory_space<hbm>>
    %dma_start3A_40 = arith.constant 2048 : i32
    %dma_start3A_41 = tpu.memref_slice %arg2[%mul3A_2, %dma_start3A_40] : memref<16384x3328xf32, #tpu.memory_space<hbm>> -> memref<512x128xf32, #tpu.memory_space<hbm>>
    tpu.enqueue_dma source(%dma_start3A_41 : memref<512x128xf32, #tpu.memory_space<hbm>>) target(%dma_start3A_39 : memref<512x128xf32, #tpu.memory_space<hbm>>) target_semaphore(%arg4 : memref<!tpu.dma_semaphore, #tpu.memory_space<semaphore_mem>>)
    %dma_start3A_42 = arith.constant 1280 : i32
    %dma_start3A_43 = tpu.memref_slice %arg3[%mul3A_2, %dma_start3A_42] : memref<16384x3328xf32, #tpu.memory_space<hbm>> -> memref<512x128xf32, #tpu.memory_space<hbm>>
    %dma_start3A_44 = arith.constant 1920 : i32
    %dma_start3A_45 = tpu.memref_slice %arg2[%mul3A_2, %dma_start3A_44] : memref<16384x3328xf32, #tpu.memory_space<hbm>> -> memref<512x128xf32, #tpu.memory_space<hbm>>
    tpu.enqueue_dma source(%dma_start3A_45 : memref<512x128xf32, #tpu.memory_space<hbm>>) target(%dma_start3A_43 : memref<512x128xf32, #tpu.memory_space<hbm>>) target_semaphore(%arg4 : memref<!tpu.dma_semaphore, #tpu.memory_space<semaphore_mem>>)
    %dma_start3A_46 = arith.constant 1408 : i32
    %dma_start3A_47 = tpu.memref_slice %arg3[%mul3A_2, %dma_start3A_46] : memref<16384x3328xf32, #tpu.memory_space<hbm>> -> memref<512x128xf32, #tpu.memory_space<hbm>>
    %dma_start3A_48 = arith.constant 1792 : i32
    %dma_start3A_49 = tpu.memref_slice %arg2[%mul3A_2, %dma_start3A_48] : memref<16384x3328xf32, #tpu.memory_space<hbm>> -> memref<512x128xf32, #tpu.memory_space<hbm>>
    tpu.enqueue_dma source(%dma_start3A_49 : memref<512x128xf32, #tpu.memory_space<hbm>>) target(%dma_start3A_47 : memref<512x128xf32, #tpu.memory_space<hbm>>) target_semaphore(%arg4 : memref<!tpu.dma_semaphore, #tpu.memory_space<semaphore_mem>>)
    %dma_start3A_50 = arith.constant 1536 : i32
    %dma_start3A_51 = tpu.memref_slice %arg3[%mul3A_2, %dma_start3A_50] : memref<16384x3328xf32, #tpu.memory_space<hbm>> -> memref<512x128xf32, #tpu.memory_space<hbm>>
    %dma_start3A_52 = arith.constant 1664 : i32
    %dma_start3A_53 = tpu.memref_slice %arg2[%mul3A_2, %dma_start3A_52] : memref<16384x3328xf32, #tpu.memory_space<hbm>> -> memref<512x128xf32, #tpu.memory_space<hbm>>
    tpu.enqueue_dma source(%dma_start3A_53 : memref<512x128xf32, #tpu.memory_space<hbm>>) target(%dma_start3A_51 : memref<512x128xf32, #tpu.memory_space<hbm>>) target_semaphore(%arg4 : memref<!tpu.dma_semaphore, #tpu.memory_space<semaphore_mem>>)
    %dma_start3A_54 = arith.constant 1664 : i32
    %dma_start3A_55 = tpu.memref_slice %arg3[%mul3A_2, %dma_start3A_54] : memref<16384x3328xf32, #tpu.memory_space<hbm>> -> memref<512x128xf32, #tpu.memory_space<hbm>>
    %dma_start3A_56 = arith.constant 1536 : i32
    %dma_start3A_57 = tpu.memref_slice %arg2[%mul3A_2, %dma_start3A_56] : memref<16384x3328xf32, #tpu.memory_space<hbm>> -> memref<512x128xf32, #tpu.memory_space<hbm>>
    tpu.enqueue_dma source(%dma_start3A_57 : memref<512x128xf32, #tpu.memory_space<hbm>>) target(%dma_start3A_55 : memref<512x128xf32, #tpu.memory_space<hbm>>) target_semaphore(%arg4 : memref<!tpu.dma_semaphore, #tpu.memory_space<semaphore_mem>>)
    %dma_start3A_58 = arith.constant 1792 : i32
    %dma_start3A_59 = tpu.memref_slice %arg3[%mul3A_2, %dma_start3A_58] : memref<16384x3328xf32, #tpu.memory_space<hbm>> -> memref<512x128xf32, #tpu.memory_space<hbm>>
    %dma_start3A_60 = arith.constant 1408 : i32
    %dma_start3A_61 = tpu.memref_slice %arg2[%mul3A_2, %dma_start3A_60] : memref<16384x3328xf32, #tpu.memory_space<hbm>> -> memref<512x128xf32, #tpu.memory_space<hbm>>
    tpu.enqueue_dma source(%dma_start3A_61 : memref<512x128xf32, #tpu.memory_space<hbm>>) target(%dma_start3A_59 : memref<512x128xf32, #tpu.memory_space<hbm>>) target_semaphore(%arg4 : memref<!tpu.dma_semaphore, #tpu.memory_space<semaphore_mem>>)
    %dma_start3A_62 = arith.constant 1920 : i32
    %dma_start3A_63 = tpu.memref_slice %arg3[%mul3A_2, %dma_start3A_62] : memref<16384x3328xf32, #tpu.memory_space<hbm>> -> memref<512x128xf32, #tpu.memory_space<hbm>>
    %dma_start3A_64 = arith.constant 1280 : i32
    %dma_start3A_65 = tpu.memref_slice %arg2[%mul3A_2, %dma_start3A_64] : memref<16384x3328xf32, #tpu.memory_space<hbm>> -> memref<512x128xf32, #tpu.memory_space<hbm>>
    tpu.enqueue_dma source(%dma_start3A_65 : memref<512x128xf32, #tpu.memory_space<hbm>>) target(%dma_start3A_63 : memref<512x128xf32, #tpu.memory_space<hbm>>) target_semaphore(%arg4 : memref<!tpu.dma_semaphore, #tpu.memory_space<semaphore_mem>>)
    %dma_start3A_66 = arith.constant 2048 : i32
    %dma_start3A_67 = tpu.memref_slice %arg3[%mul3A_2, %dma_start3A_66] : memref<16384x3328xf32, #tpu.memory_space<hbm>> -> memref<512x128xf32, #tpu.memory_space<hbm>>
    %dma_start3A_68 = arith.constant 1152 : i32
    %dma_start3A_69 = tpu.memref_slice %arg2[%mul3A_2, %dma_start3A_68] : memref<16384x3328xf32, #tpu.memory_space<hbm>> -> memref<512x128xf32, #tpu.memory_space<hbm>>
    tpu.enqueue_dma source(%dma_start3A_69 : memref<512x128xf32, #tpu.memory_space<hbm>>) target(%dma_start3A_67 : memref<512x128xf32, #tpu.memory_space<hbm>>) target_semaphore(%arg4 : memref<!tpu.dma_semaphore, #tpu.memory_space<semaphore_mem>>)
    %dma_start3A_70 = arith.constant 2176 : i32
    %dma_start3A_71 = tpu.memref_slice %arg3[%mul3A_2, %dma_start3A_70] : memref<16384x3328xf32, #tpu.memory_space<hbm>> -> memref<512x128xf32, #tpu.memory_space<hbm>>
    %dma_start3A_72 = arith.constant 1024 : i32
    %dma_start3A_73 = tpu.memref_slice %arg2[%mul3A_2, %dma_start3A_72] : memref<16384x3328xf32, #tpu.memory_space<hbm>> -> memref<512x128xf32, #tpu.memory_space<hbm>>
    tpu.enqueue_dma source(%dma_start3A_73 : memref<512x128xf32, #tpu.memory_space<hbm>>) target(%dma_start3A_71 : memref<512x128xf32, #tpu.memory_space<hbm>>) target_semaphore(%arg4 : memref<!tpu.dma_semaphore, #tpu.memory_space<semaphore_mem>>)
    %dma_start3A_74 = arith.constant 2304 : i32
    %dma_start3A_75 = tpu.memref_slice %arg3[%mul3A_2, %dma_start3A_74] : memref<16384x3328xf32, #tpu.memory_space<hbm>> -> memref<512x128xf32, #tpu.memory_space<hbm>>
    %dma_start3A_76 = arith.constant 896 : i32
    %dma_start3A_77 = tpu.memref_slice %arg2[%mul3A_2, %dma_start3A_76] : memref<16384x3328xf32, #tpu.memory_space<hbm>> -> memref<512x128xf32, #tpu.memory_space<hbm>>
    tpu.enqueue_dma source(%dma_start3A_77 : memref<512x128xf32, #tpu.memory_space<hbm>>) target(%dma_start3A_75 : memref<512x128xf32, #tpu.memory_space<hbm>>) target_semaphore(%arg4 : memref<!tpu.dma_semaphore, #tpu.memory_space<semaphore_mem>>)
    %dma_start3A_78 = arith.constant 2432 : i32
    %dma_start3A_79 = tpu.memref_slice %arg3[%mul3A_2, %dma_start3A_78] : memref<16384x3328xf32, #tpu.memory_space<hbm>> -> memref<512x128xf32, #tpu.memory_space<hbm>>
    %dma_start3A_80 = arith.constant 768 : i32
    %dma_start3A_81 = tpu.memref_slice %arg2[%mul3A_2, %dma_start3A_80] : memref<16384x3328xf32, #tpu.memory_space<hbm>> -> memref<512x128xf32, #tpu.memory_space<hbm>>
    tpu.enqueue_dma source(%dma_start3A_81 : memref<512x128xf32, #tpu.memory_space<hbm>>) target(%dma_start3A_79 : memref<512x128xf32, #tpu.memory_space<hbm>>) target_semaphore(%arg4 : memref<!tpu.dma_semaphore, #tpu.memory_space<semaphore_mem>>)
    %dma_start3A_82 = arith.constant 2560 : i32
    %dma_start3A_83 = tpu.memref_slice %arg3[%mul3A_2, %dma_start3A_82] : memref<16384x3328xf32, #tpu.memory_space<hbm>> -> memref<512x128xf32, #tpu.memory_space<hbm>>
    %dma_start3A_84 = arith.constant 640 : i32
    %dma_start3A_85 = tpu.memref_slice %arg2[%mul3A_2, %dma_start3A_84] : memref<16384x3328xf32, #tpu.memory_space<hbm>> -> memref<512x128xf32, #tpu.memory_space<hbm>>
    tpu.enqueue_dma source(%dma_start3A_85 : memref<512x128xf32, #tpu.memory_space<hbm>>) target(%dma_start3A_83 : memref<512x128xf32, #tpu.memory_space<hbm>>) target_semaphore(%arg4 : memref<!tpu.dma_semaphore, #tpu.memory_space<semaphore_mem>>)
    %dma_start3A_86 = arith.constant 2688 : i32
    %dma_start3A_87 = tpu.memref_slice %arg3[%mul3A_2, %dma_start3A_86] : memref<16384x3328xf32, #tpu.memory_space<hbm>> -> memref<512x128xf32, #tpu.memory_space<hbm>>
    %dma_start3A_88 = arith.constant 512 : i32
    %dma_start3A_89 = tpu.memref_slice %arg2[%mul3A_2, %dma_start3A_88] : memref<16384x3328xf32, #tpu.memory_space<hbm>> -> memref<512x128xf32, #tpu.memory_space<hbm>>
    tpu.enqueue_dma source(%dma_start3A_89 : memref<512x128xf32, #tpu.memory_space<hbm>>) target(%dma_start3A_87 : memref<512x128xf32, #tpu.memory_space<hbm>>) target_semaphore(%arg4 : memref<!tpu.dma_semaphore, #tpu.memory_space<semaphore_mem>>)
    %dma_start3A_90 = arith.constant 2816 : i32
    %dma_start3A_91 = tpu.memref_slice %arg3[%mul3A_2, %dma_start3A_90] : memref<16384x3328xf32, #tpu.memory_space<hbm>> -> memref<512x128xf32, #tpu.memory_space<hbm>>
    %dma_start3A_92 = arith.constant 384 : i32
    %dma_start3A_93 = tpu.memref_slice %arg2[%mul3A_2, %dma_start3A_92] : memref<16384x3328xf32, #tpu.memory_space<hbm>> -> memref<512x128xf32, #tpu.memory_space<hbm>>
    tpu.enqueue_dma source(%dma_start3A_93 : memref<512x128xf32, #tpu.memory_space<hbm>>) target(%dma_start3A_91 : memref<512x128xf32, #tpu.memory_space<hbm>>) target_semaphore(%arg4 : memref<!tpu.dma_semaphore, #tpu.memory_space<semaphore_mem>>)
    %dma_start3A_94 = arith.constant 2944 : i32
    %dma_start3A_95 = tpu.memref_slice %arg3[%mul3A_2, %dma_start3A_94] : memref<16384x3328xf32, #tpu.memory_space<hbm>> -> memref<512x128xf32, #tpu.memory_space<hbm>>
    %dma_start3A_96 = arith.constant 256 : i32
    %dma_start3A_97 = tpu.memref_slice %arg2[%mul3A_2, %dma_start3A_96] : memref<16384x3328xf32, #tpu.memory_space<hbm>> -> memref<512x128xf32, #tpu.memory_space<hbm>>
    tpu.enqueue_dma source(%dma_start3A_97 : memref<512x128xf32, #tpu.memory_space<hbm>>) target(%dma_start3A_95 : memref<512x128xf32, #tpu.memory_space<hbm>>) target_semaphore(%arg4 : memref<!tpu.dma_semaphore, #tpu.memory_space<semaphore_mem>>)
    %dma_start3A_98 = arith.constant 3072 : i32
    %dma_start3A_99 = tpu.memref_slice %arg3[%mul3A_2, %dma_start3A_98] : memref<16384x3328xf32, #tpu.memory_space<hbm>> -> memref<512x128xf32, #tpu.memory_space<hbm>>
    %dma_start3A_100 = arith.constant 128 : i32
    %dma_start3A_101 = tpu.memref_slice %arg2[%mul3A_2, %dma_start3A_100] : memref<16384x3328xf32, #tpu.memory_space<hbm>> -> memref<512x128xf32, #tpu.memory_space<hbm>>
    tpu.enqueue_dma source(%dma_start3A_101 : memref<512x128xf32, #tpu.memory_space<hbm>>) target(%dma_start3A_99 : memref<512x128xf32, #tpu.memory_space<hbm>>) target_semaphore(%arg4 : memref<!tpu.dma_semaphore, #tpu.memory_space<semaphore_mem>>)
    %dma_start3A_102 = arith.constant 3200 : i32
    %dma_start3A_103 = tpu.memref_slice %arg3[%mul3A_2, %dma_start3A_102] : memref<16384x3328xf32, #tpu.memory_space<hbm>> -> memref<512x128xf32, #tpu.memory_space<hbm>>
    %dma_start3A_104 = arith.constant 0 : i32
    %dma_start3A_105 = tpu.memref_slice %arg2[%mul3A_2, %dma_start3A_104] : memref<16384x3328xf32, #tpu.memory_space<hbm>> -> memref<512x128xf32, #tpu.memory_space<hbm>>
    tpu.enqueue_dma source(%dma_start3A_105 : memref<512x128xf32, #tpu.memory_space<hbm>>) target(%dma_start3A_103 : memref<512x128xf32, #tpu.memory_space<hbm>>) target_semaphore(%arg4 : memref<!tpu.dma_semaphore, #tpu.memory_space<semaphore_mem>>)
    %dma_wait3A = arith.constant 0 : i32
    %dma_wait3A_106 = tpu.memref_slice %arg3[%mul3A_2, %dma_wait3A] : memref<16384x3328xf32, #tpu.memory_space<hbm>> -> memref<512x128xf32, #tpu.memory_space<hbm>>
    %dma_wait3A_107 = arith.constant 3200 : i32
    %dma_wait3A_108 = tpu.memref_slice %arg2[%mul3A_2, %dma_wait3A_107] : memref<16384x3328xf32, #tpu.memory_space<hbm>> -> memref<512x128xf32, #tpu.memory_space<hbm>>
    tpu.wait_dma2 semaphore(%arg4 : memref<!tpu.dma_semaphore, #tpu.memory_space<semaphore_mem>>) src(%dma_wait3A_108 : memref<512x128xf32, #tpu.memory_space<hbm>>) dst(%dma_wait3A_106 : memref<512x128xf32, #tpu.memory_space<hbm>>)
    %dma_wait3A_109 = arith.constant 128 : i32
    %dma_wait3A_110 = tpu.memref_slice %arg3[%mul3A_2, %dma_wait3A_109] : memref<16384x3328xf32, #tpu.memory_space<hbm>> -> memref<512x128xf32, #tpu.memory_space<hbm>>
    %dma_wait3A_111 = arith.constant 3072 : i32
    %dma_wait3A_112 = tpu.memref_slice %arg2[%mul3A_2, %dma_wait3A_111] : memref<16384x3328xf32, #tpu.memory_space<hbm>> -> memref<512x128xf32, #tpu.memory_space<hbm>>
    tpu.wait_dma2 semaphore(%arg4 : memref<!tpu.dma_semaphore, #tpu.memory_space<semaphore_mem>>) src(%dma_wait3A_112 : memref<512x128xf32, #tpu.memory_space<hbm>>) dst(%dma_wait3A_110 : memref<512x128xf32, #tpu.memory_space<hbm>>)
    %dma_wait3A_113 = arith.constant 256 : i32
    %dma_wait3A_114 = tpu.memref_slice %arg3[%mul3A_2, %dma_wait3A_113] : memref<16384x3328xf32, #tpu.memory_space<hbm>> -> memref<512x128xf32, #tpu.memory_space<hbm>>
    %dma_wait3A_115 = arith.constant 2944 : i32
    %dma_wait3A_116 = tpu.memref_slice %arg2[%mul3A_2, %dma_wait3A_115] : memref<16384x3328xf32, #tpu.memory_space<hbm>> -> memref<512x128xf32, #tpu.memory_space<hbm>>
    tpu.wait_dma2 semaphore(%arg4 : memref<!tpu.dma_semaphore, #tpu.memory_space<semaphore_mem>>) src(%dma_wait3A_116 : memref<512x128xf32, #tpu.memory_space<hbm>>) dst(%dma_wait3A_114 : memref<512x128xf32, #tpu.memory_space<hbm>>)
    %dma_wait3A_117 = arith.constant 384 : i32
    %dma_wait3A_118 = tpu.memref_slice %arg3[%mul3A_2, %dma_wait3A_117] : memref<16384x3328xf32, #tpu.memory_space<hbm>> -> memref<512x128xf32, #tpu.memory_space<hbm>>
    %dma_wait3A_119 = arith.constant 2816 : i32
    %dma_wait3A_120 = tpu.memref_slice %arg2[%mul3A_2, %dma_wait3A_119] : memref<16384x3328xf32, #tpu.memory_space<hbm>> -> memref<512x128xf32, #tpu.memory_space<hbm>>
    tpu.wait_dma2 semaphore(%arg4 : memref<!tpu.dma_semaphore, #tpu.memory_space<semaphore_mem>>) src(%dma_wait3A_120 : memref<512x128xf32, #tpu.memory_space<hbm>>) dst(%dma_wait3A_118 : memref<512x128xf32, #tpu.memory_space<hbm>>)
    %dma_wait3A_121 = arith.constant 512 : i32
    %dma_wait3A_122 = tpu.memref_slice %arg3[%mul3A_2, %dma_wait3A_121] : memref<16384x3328xf32, #tpu.memory_space<hbm>> -> memref<512x128xf32, #tpu.memory_space<hbm>>
    %dma_wait3A_123 = arith.constant 2688 : i32
    %dma_wait3A_124 = tpu.memref_slice %arg2[%mul3A_2, %dma_wait3A_123] : memref<16384x3328xf32, #tpu.memory_space<hbm>> -> memref<512x128xf32, #tpu.memory_space<hbm>>
    tpu.wait_dma2 semaphore(%arg4 : memref<!tpu.dma_semaphore, #tpu.memory_space<semaphore_mem>>) src(%dma_wait3A_124 : memref<512x128xf32, #tpu.memory_space<hbm>>) dst(%dma_wait3A_122 : memref<512x128xf32, #tpu.memory_space<hbm>>)
    %dma_wait3A_125 = arith.constant 640 : i32
    %dma_wait3A_126 = tpu.memref_slice %arg3[%mul3A_2, %dma_wait3A_125] : memref<16384x3328xf32, #tpu.memory_space<hbm>> -> memref<512x128xf32, #tpu.memory_space<hbm>>
    %dma_wait3A_127 = arith.constant 2560 : i32
    %dma_wait3A_128 = tpu.memref_slice %arg2[%mul3A_2, %dma_wait3A_127] : memref<16384x3328xf32, #tpu.memory_space<hbm>> -> memref<512x128xf32, #tpu.memory_space<hbm>>
    tpu.wait_dma2 semaphore(%arg4 : memref<!tpu.dma_semaphore, #tpu.memory_space<semaphore_mem>>) src(%dma_wait3A_128 : memref<512x128xf32, #tpu.memory_space<hbm>>) dst(%dma_wait3A_126 : memref<512x128xf32, #tpu.memory_space<hbm>>)
    %dma_wait3A_129 = arith.constant 768 : i32
    %dma_wait3A_130 = tpu.memref_slice %arg3[%mul3A_2, %dma_wait3A_129] : memref<16384x3328xf32, #tpu.memory_space<hbm>> -> memref<512x128xf32, #tpu.memory_space<hbm>>
    %dma_wait3A_131 = arith.constant 2432 : i32
    %dma_wait3A_132 = tpu.memref_slice %arg2[%mul3A_2, %dma_wait3A_131] : memref<16384x3328xf32, #tpu.memory_space<hbm>> -> memref<512x128xf32, #tpu.memory_space<hbm>>
    tpu.wait_dma2 semaphore(%arg4 : memref<!tpu.dma_semaphore, #tpu.memory_space<semaphore_mem>>) src(%dma_wait3A_132 : memref<512x128xf32, #tpu.memory_space<hbm>>) dst(%dma_wait3A_130 : memref<512x128xf32, #tpu.memory_space<hbm>>)
    %dma_wait3A_133 = arith.constant 896 : i32
    %dma_wait3A_134 = tpu.memref_slice %arg3[%mul3A_2, %dma_wait3A_133] : memref<16384x3328xf32, #tpu.memory_space<hbm>> -> memref<512x128xf32, #tpu.memory_space<hbm>>
    %dma_wait3A_135 = arith.constant 2304 : i32
    %dma_wait3A_136 = tpu.memref_slice %arg2[%mul3A_2, %dma_wait3A_135] : memref<16384x3328xf32, #tpu.memory_space<hbm>> -> memref<512x128xf32, #tpu.memory_space<hbm>>
    tpu.wait_dma2 semaphore(%arg4 : memref<!tpu.dma_semaphore, #tpu.memory_space<semaphore_mem>>) src(%dma_wait3A_136 : memref<512x128xf32, #tpu.memory_space<hbm>>) dst(%dma_wait3A_134 : memref<512x128xf32, #tpu.memory_space<hbm>>)
    %dma_wait3A_137 = arith.constant 1024 : i32
    %dma_wait3A_138 = tpu.memref_slice %arg3[%mul3A_2, %dma_wait3A_137] : memref<16384x3328xf32, #tpu.memory_space<hbm>> -> memref<512x128xf32, #tpu.memory_space<hbm>>
    %dma_wait3A_139 = arith.constant 2176 : i32
    %dma_wait3A_140 = tpu.memref_slice %arg2[%mul3A_2, %dma_wait3A_139] : memref<16384x3328xf32, #tpu.memory_space<hbm>> -> memref<512x128xf32, #tpu.memory_space<hbm>>
    tpu.wait_dma2 semaphore(%arg4 : memref<!tpu.dma_semaphore, #tpu.memory_space<semaphore_mem>>) src(%dma_wait3A_140 : memref<512x128xf32, #tpu.memory_space<hbm>>) dst(%dma_wait3A_138 : memref<512x128xf32, #tpu.memory_space<hbm>>)
    %dma_wait3A_141 = arith.constant 1152 : i32
    %dma_wait3A_142 = tpu.memref_slice %arg3[%mul3A_2, %dma_wait3A_141] : memref<16384x3328xf32, #tpu.memory_space<hbm>> -> memref<512x128xf32, #tpu.memory_space<hbm>>
    %dma_wait3A_143 = arith.constant 2048 : i32
    %dma_wait3A_144 = tpu.memref_slice %arg2[%mul3A_2, %dma_wait3A_143] : memref<16384x3328xf32, #tpu.memory_space<hbm>> -> memref<512x128xf32, #tpu.memory_space<hbm>>
    tpu.wait_dma2 semaphore(%arg4 : memref<!tpu.dma_semaphore, #tpu.memory_space<semaphore_mem>>) src(%dma_wait3A_144 : memref<512x128xf32, #tpu.memory_space<hbm>>) dst(%dma_wait3A_142 : memref<512x128xf32, #tpu.memory_space<hbm>>)
    %dma_wait3A_145 = arith.constant 1280 : i32
    %dma_wait3A_146 = tpu.memref_slice %arg3[%mul3A_2, %dma_wait3A_145] : memref<16384x3328xf32, #tpu.memory_space<hbm>> -> memref<512x128xf32, #tpu.memory_space<hbm>>
    %dma_wait3A_147 = arith.constant 1920 : i32
    %dma_wait3A_148 = tpu.memref_slice %arg2[%mul3A_2, %dma_wait3A_147] : memref<16384x3328xf32, #tpu.memory_space<hbm>> -> memref<512x128xf32, #tpu.memory_space<hbm>>
    tpu.wait_dma2 semaphore(%arg4 : memref<!tpu.dma_semaphore, #tpu.memory_space<semaphore_mem>>) src(%dma_wait3A_148 : memref<512x128xf32, #tpu.memory_space<hbm>>) dst(%dma_wait3A_146 : memref<512x128xf32, #tpu.memory_space<hbm>>)
    %dma_wait3A_149 = arith.constant 1408 : i32
    %dma_wait3A_150 = tpu.memref_slice %arg3[%mul3A_2, %dma_wait3A_149] : memref<16384x3328xf32, #tpu.memory_space<hbm>> -> memref<512x128xf32, #tpu.memory_space<hbm>>
    %dma_wait3A_151 = arith.constant 1792 : i32
    %dma_wait3A_152 = tpu.memref_slice %arg2[%mul3A_2, %dma_wait3A_151] : memref<16384x3328xf32, #tpu.memory_space<hbm>> -> memref<512x128xf32, #tpu.memory_space<hbm>>
    tpu.wait_dma2 semaphore(%arg4 : memref<!tpu.dma_semaphore, #tpu.memory_space<semaphore_mem>>) src(%dma_wait3A_152 : memref<512x128xf32, #tpu.memory_space<hbm>>) dst(%dma_wait3A_150 : memref<512x128xf32, #tpu.memory_space<hbm>>)
    %dma_wait3A_153 = arith.constant 1536 : i32
    %dma_wait3A_154 = tpu.memref_slice %arg3[%mul3A_2, %dma_wait3A_153] : memref<16384x3328xf32, #tpu.memory_space<hbm>> -> memref<512x128xf32, #tpu.memory_space<hbm>>
    %dma_wait3A_155 = arith.constant 1664 : i32
    %dma_wait3A_156 = tpu.memref_slice %arg2[%mul3A_2, %dma_wait3A_155] : memref<16384x3328xf32, #tpu.memory_space<hbm>> -> memref<512x128xf32, #tpu.memory_space<hbm>>
    tpu.wait_dma2 semaphore(%arg4 : memref<!tpu.dma_semaphore, #tpu.memory_space<semaphore_mem>>) src(%dma_wait3A_156 : memref<512x128xf32, #tpu.memory_space<hbm>>) dst(%dma_wait3A_154 : memref<512x128xf32, #tpu.memory_space<hbm>>)
    %dma_wait3A_157 = arith.constant 1664 : i32
    %dma_wait3A_158 = tpu.memref_slice %arg3[%mul3A_2, %dma_wait3A_157] : memref<16384x3328xf32, #tpu.memory_space<hbm>> -> memref<512x128xf32, #tpu.memory_space<hbm>>
    %dma_wait3A_159 = arith.constant 1536 : i32
    %dma_wait3A_160 = tpu.memref_slice %arg2[%mul3A_2, %dma_wait3A_159] : memref<16384x3328xf32, #tpu.memory_space<hbm>> -> memref<512x128xf32, #tpu.memory_space<hbm>>
    tpu.wait_dma2 semaphore(%arg4 : memref<!tpu.dma_semaphore, #tpu.memory_space<semaphore_mem>>) src(%dma_wait3A_160 : memref<512x128xf32, #tpu.memory_space<hbm>>) dst(%dma_wait3A_158 : memref<512x128xf32, #tpu.memory_space<hbm>>)
    %dma_wait3A_161 = arith.constant 1792 : i32
    %dma_wait3A_162 = tpu.memref_slice %arg3[%mul3A_2, %dma_wait3A_161] : memref<16384x3328xf32, #tpu.memory_space<hbm>> -> memref<512x128xf32, #tpu.memory_space<hbm>>
    %dma_wait3A_163 = arith.constant 1408 : i32
    %dma_wait3A_164 = tpu.memref_slice %arg2[%mul3A_2, %dma_wait3A_163] : memref<16384x3328xf32, #tpu.memory_space<hbm>> -> memref<512x128xf32, #tpu.memory_space<hbm>>
    tpu.wait_dma2 semaphore(%arg4 : memref<!tpu.dma_semaphore, #tpu.memory_space<semaphore_mem>>) src(%dma_wait3A_164 : memref<512x128xf32, #tpu.memory_space<hbm>>) dst(%dma_wait3A_162 : memref<512x128xf32, #tpu.memory_space<hbm>>)
    %dma_wait3A_165 = arith.constant 1920 : i32
    %dma_wait3A_166 = tpu.memref_slice %arg3[%mul3A_2, %dma_wait3A_165] : memref<16384x3328xf32, #tpu.memory_space<hbm>> -> memref<512x128xf32, #tpu.memory_space<hbm>>
    %dma_wait3A_167 = arith.constant 1280 : i32
    %dma_wait3A_168 = tpu.memref_slice %arg2[%mul3A_2, %dma_wait3A_167] : memref<16384x3328xf32, #tpu.memory_space<hbm>> -> memref<512x128xf32, #tpu.memory_space<hbm>>
    tpu.wait_dma2 semaphore(%arg4 : memref<!tpu.dma_semaphore, #tpu.memory_space<semaphore_mem>>) src(%dma_wait3A_168 : memref<512x128xf32, #tpu.memory_space<hbm>>) dst(%dma_wait3A_166 : memref<512x128xf32, #tpu.memory_space<hbm>>)
    %dma_wait3A_169 = arith.constant 2048 : i32
    %dma_wait3A_170 = tpu.memref_slice %arg3[%mul3A_2, %dma_wait3A_169] : memref<16384x3328xf32, #tpu.memory_space<hbm>> -> memref<512x128xf32, #tpu.memory_space<hbm>>
    %dma_wait3A_171 = arith.constant 1152 : i32
    %dma_wait3A_172 = tpu.memref_slice %arg2[%mul3A_2, %dma_wait3A_171] : memref<16384x3328xf32, #tpu.memory_space<hbm>> -> memref<512x128xf32, #tpu.memory_space<hbm>>
    tpu.wait_dma2 semaphore(%arg4 : memref<!tpu.dma_semaphore, #tpu.memory_space<semaphore_mem>>) src(%dma_wait3A_172 : memref<512x128xf32, #tpu.memory_space<hbm>>) dst(%dma_wait3A_170 : memref<512x128xf32, #tpu.memory_space<hbm>>)
    %dma_wait3A_173 = arith.constant 2176 : i32
    %dma_wait3A_174 = tpu.memref_slice %arg3[%mul3A_2, %dma_wait3A_173] : memref<16384x3328xf32, #tpu.memory_space<hbm>> -> memref<512x128xf32, #tpu.memory_space<hbm>>
    %dma_wait3A_175 = arith.constant 1024 : i32
    %dma_wait3A_176 = tpu.memref_slice %arg2[%mul3A_2, %dma_wait3A_175] : memref<16384x3328xf32, #tpu.memory_space<hbm>> -> memref<512x128xf32, #tpu.memory_space<hbm>>
    tpu.wait_dma2 semaphore(%arg4 : memref<!tpu.dma_semaphore, #tpu.memory_space<semaphore_mem>>) src(%dma_wait3A_176 : memref<512x128xf32, #tpu.memory_space<hbm>>) dst(%dma_wait3A_174 : memref<512x128xf32, #tpu.memory_space<hbm>>)
    %dma_wait3A_177 = arith.constant 2304 : i32
    %dma_wait3A_178 = tpu.memref_slice %arg3[%mul3A_2, %dma_wait3A_177] : memref<16384x3328xf32, #tpu.memory_space<hbm>> -> memref<512x128xf32, #tpu.memory_space<hbm>>
    %dma_wait3A_179 = arith.constant 896 : i32
    %dma_wait3A_180 = tpu.memref_slice %arg2[%mul3A_2, %dma_wait3A_179] : memref<16384x3328xf32, #tpu.memory_space<hbm>> -> memref<512x128xf32, #tpu.memory_space<hbm>>
    tpu.wait_dma2 semaphore(%arg4 : memref<!tpu.dma_semaphore, #tpu.memory_space<semaphore_mem>>) src(%dma_wait3A_180 : memref<512x128xf32, #tpu.memory_space<hbm>>) dst(%dma_wait3A_178 : memref<512x128xf32, #tpu.memory_space<hbm>>)
    %dma_wait3A_181 = arith.constant 2432 : i32
    %dma_wait3A_182 = tpu.memref_slice %arg3[%mul3A_2, %dma_wait3A_181] : memref<16384x3328xf32, #tpu.memory_space<hbm>> -> memref<512x128xf32, #tpu.memory_space<hbm>>
    %dma_wait3A_183 = arith.constant 768 : i32
    %dma_wait3A_184 = tpu.memref_slice %arg2[%mul3A_2, %dma_wait3A_183] : memref<16384x3328xf32, #tpu.memory_space<hbm>> -> memref<512x128xf32, #tpu.memory_space<hbm>>
    tpu.wait_dma2 semaphore(%arg4 : memref<!tpu.dma_semaphore, #tpu.memory_space<semaphore_mem>>) src(%dma_wait3A_184 : memref<512x128xf32, #tpu.memory_space<hbm>>) dst(%dma_wait3A_182 : memref<512x128xf32, #tpu.memory_space<hbm>>)
    %dma_wait3A_185 = arith.constant 2560 : i32
    %dma_wait3A_186 = tpu.memref_slice %arg3[%mul3A_2, %dma_wait3A_185] : memref<16384x3328xf32, #tpu.memory_space<hbm>> -> memref<512x128xf32, #tpu.memory_space<hbm>>
    %dma_wait3A_187 = arith.constant 640 : i32
    %dma_wait3A_188 = tpu.memref_slice %arg2[%mul3A_2, %dma_wait3A_187] : memref<16384x3328xf32, #tpu.memory_space<hbm>> -> memref<512x128xf32, #tpu.memory_space<hbm>>
    tpu.wait_dma2 semaphore(%arg4 : memref<!tpu.dma_semaphore, #tpu.memory_space<semaphore_mem>>) src(%dma_wait3A_188 : memref<512x128xf32, #tpu.memory_space<hbm>>) dst(%dma_wait3A_186 : memref<512x128xf32, #tpu.memory_space<hbm>>)
    %dma_wait3A_189 = arith.constant 2688 : i32
    %dma_wait3A_190 = tpu.memref_slice %arg3[%mul3A_2, %dma_wait3A_189] : memref<16384x3328xf32, #tpu.memory_space<hbm>> -> memref<512x128xf32, #tpu.memory_space<hbm>>
    %dma_wait3A_191 = arith.constant 512 : i32
    %dma_wait3A_192 = tpu.memref_slice %arg2[%mul3A_2, %dma_wait3A_191] : memref<16384x3328xf32, #tpu.memory_space<hbm>> -> memref<512x128xf32, #tpu.memory_space<hbm>>
    tpu.wait_dma2 semaphore(%arg4 : memref<!tpu.dma_semaphore, #tpu.memory_space<semaphore_mem>>) src(%dma_wait3A_192 : memref<512x128xf32, #tpu.memory_space<hbm>>) dst(%dma_wait3A_190 : memref<512x128xf32, #tpu.memory_space<hbm>>)
    %dma_wait3A_193 = arith.constant 2816 : i32
    %dma_wait3A_194 = tpu.memref_slice %arg3[%mul3A_2, %dma_wait3A_193] : memref<16384x3328xf32, #tpu.memory_space<hbm>> -> memref<512x128xf32, #tpu.memory_space<hbm>>
    %dma_wait3A_195 = arith.constant 384 : i32
    %dma_wait3A_196 = tpu.memref_slice %arg2[%mul3A_2, %dma_wait3A_195] : memref<16384x3328xf32, #tpu.memory_space<hbm>> -> memref<512x128xf32, #tpu.memory_space<hbm>>
    tpu.wait_dma2 semaphore(%arg4 : memref<!tpu.dma_semaphore, #tpu.memory_space<semaphore_mem>>) src(%dma_wait3A_196 : memref<512x128xf32, #tpu.memory_space<hbm>>) dst(%dma_wait3A_194 : memref<512x128xf32, #tpu.memory_space<hbm>>)
    %dma_wait3A_197 = arith.constant 2944 : i32
    %dma_wait3A_198 = tpu.memref_slice %arg3[%mul3A_2, %dma_wait3A_197] : memref<16384x3328xf32, #tpu.memory_space<hbm>> -> memref<512x128xf32, #tpu.memory_space<hbm>>
    %dma_wait3A_199 = arith.constant 256 : i32
    %dma_wait3A_200 = tpu.memref_slice %arg2[%mul3A_2, %dma_wait3A_199] : memref<16384x3328xf32, #tpu.memory_space<hbm>> -> memref<512x128xf32, #tpu.memory_space<hbm>>
    tpu.wait_dma2 semaphore(%arg4 : memref<!tpu.dma_semaphore, #tpu.memory_space<semaphore_mem>>) src(%dma_wait3A_200 : memref<512x128xf32, #tpu.memory_space<hbm>>) dst(%dma_wait3A_198 : memref<512x128xf32, #tpu.memory_space<hbm>>)
    %dma_wait3A_201 = arith.constant 3072 : i32
    %dma_wait3A_202 = tpu.memref_slice %arg3[%mul3A_2, %dma_wait3A_201] : memref<16384x3328xf32, #tpu.memory_space<hbm>> -> memref<512x128xf32, #tpu.memory_space<hbm>>
    %dma_wait3A_203 = arith.constant 128 : i32
    %dma_wait3A_204 = tpu.memref_slice %arg2[%mul3A_2, %dma_wait3A_203] : memref<16384x3328xf32, #tpu.memory_space<hbm>> -> memref<512x128xf32, #tpu.memory_space<hbm>>
    tpu.wait_dma2 semaphore(%arg4 : memref<!tpu.dma_semaphore, #tpu.memory_space<semaphore_mem>>) src(%dma_wait3A_204 : memref<512x128xf32, #tpu.memory_space<hbm>>) dst(%dma_wait3A_202 : memref<512x128xf32, #tpu.memory_space<hbm>>)
    %dma_wait3A_205 = arith.constant 3200 : i32
    %dma_wait3A_206 = tpu.memref_slice %arg3[%mul3A_2, %dma_wait3A_205] : memref<16384x3328xf32, #tpu.memory_space<hbm>> -> memref<512x128xf32, #tpu.memory_space<hbm>>
    %dma_wait3A_207 = arith.constant 0 : i32
    %dma_wait3A_208 = tpu.memref_slice %arg2[%mul3A_2, %dma_wait3A_207] : memref<16384x3328xf32, #tpu.memory_space<hbm>> -> memref<512x128xf32, #tpu.memory_space<hbm>>
    tpu.wait_dma2 semaphore(%arg4 : memref<!tpu.dma_semaphore, #tpu.memory_space<semaphore_mem>>) src(%dma_wait3A_208 : memref<512x128xf32, #tpu.memory_space<hbm>>) dst(%dma_wait3A_206 : memref<512x128xf32, #tpu.memory_space<hbm>>)
    return
  }
}

</mosaic_0001>

<sc_bundles>
// kernel: kernel.3.cloned.1.call-start
scs
__scs_entry_jumppad:
0x0: {  	(pc) =	sbr.rel $0x88, $3  }
0x1: {  	(tag) =	ssettag $0x0;
	lr =	simm.s32 $0x1  }
0x2: {  	[smem:$0x3FA0] =	sst lr;
	_ =	strace $0xD0000000  }
0x3: {  	_ = 	snop  }
0x4: {  	_ = 	snop  }
0x5: {  	_ = 	snop  }
0x6: {  	_ = 	snop  }
0x7: {  	_ = 	snop  }
__scs_overlays_trampoline_lowered:
0x8: {  	[smem:$0x3FAF] =	sst s0  }
0x9: {  	[smem:$0x3FB0] =	sst s1  }
0xa: {  	[smem:$0x3FB1] =	sst s2  }
0xb: {  	[smem:$0x3FB2] =	sst s3  }
0xc: {  	[smem:$0x3FB3] =	sst s4  }
0xd: {  	[smem:$0x3FB4] =	sst s5  }
0xe: {  	[smem:$0x3FB5] =	sst s6  }
0xf: {  	[smem:$0x3FB6] =	sst s7  }
0x10: {  	[smem:$0x3FB7] =	sst s8  }
0x11: {  	[smem:$0x3FB8] =	sst s9;
	s0 =	simm.s32 @!p0 $0x0  }
0x12: {  	s1 =	sld [smem:$0x3F9E];
	s0 =	simm.s32 @p0 $0x1  }
0x13: {  	[smem:$0x3FB9] =	sst s0;
	s0 =	simm.s32 @!p1 $0x0  }
0x14: {  	s2 =	sld [smem:$0x3F9D];
	s0 =	simm.s32 @p1 $0x1  }
0x15: {  	[smem:$0x3FBA] =	sst s0;
	s0 =	simm.s32 @!p2 $0x0  }
0x16: {  	s3 =	sld [smem:$0x3FDB];
	s0 =	simm.s32 @p2 $0x1  }
0x17: {  	s4 =	simm.s32 $0x1BF5;
	[smem:$0x3FBC] =	sst s0  }
0x18: {  	s0 =	sld [smem:$0x3F9F];
	_ =	swait.ge [sflag:s4], $0x0  }
0x19: {  	s7 =	sld [smem:$0x3FA0]  }
0x1a: {  	s8 =	sadd.s32 $0xFFFFE003, lr  }
0x1b: {  	s9 =	sadd.s32 $0xFFFFFEF7, lr;
	s5 =	simm.s32 $0xFFFFFFFF;
	p2 =	slt.u32 s8, $0xFFFFF086  }
0x1c: {  	p1 =	slt.u32 s9, $0xF7A;
	s5 =	simm.s32 @!p2 $0x0  }
0x1d: {  	s5 =	simm.s32 @p1 $0x1;
	p0 =	seq.s32 s7, s2  }
0x1e: {  	s7 =	smul.u32 @!p0 $0xF7A, s2;
	p2 =	seq.s32 @!p0 s5, $0x0  }
0x1f: {  	s9 =	smul.u32 $0xF7A, s1;
	s8 =	simm.s32 @!p0 $0x1BF5;
	p2 =	por !p2, p0  }
0x20: {  	[sflag:s8] =	ssyncset.s32 @!p0 $0xFFFFF086;
	s6 =	sadd.s32 @!p0 s3, s7;
	s7 =	simm.s32 @!p0 $0x108  }
0x21: {  	s3 =	sadd.s32 s3, s9;
	s6 =	sadd.s32 @!p0 $0x88, s6;
	s7 =	simm.s32 @p2 $0x1082  }
0x22: {  	[simem:s7], [sflag:s8] =	dma.local @!p0 [hbm:s6], $0xF7A  }
0x23: {  	s9 =	sor.u32 $0xD0000000, s2;
	s6 =	simm.s32 $0x108;
	_ =	swait.ge @!p0 [sflag:s8], $0x0  }
0x24: {  	s3 =	sadd.s32 $0x88, s3;
	s6 =	simm.s32 @!p1 $0x1082;
	[sflag:s4] =	ssyncset.s32 $0xFFFFF086  }
0x25: {  	[simem:s6], [sflag:s4] =	dma.local [hbm:s3], $0xF7A  }
0x26: {  	[smem:$0x3FA0] =	sst s1;
	(tag) =	ssettag s2;
	_ =	strace s9  }
0x27: {  	s1 =	sld [smem:$0x3FB0]  }
0x28: {  	s2 =	sld [smem:$0x3FB1]  }
0x29: {  	s4 =	sld [smem:$0x3FB3]  }
0x2a: {  	p0 =	seq.s32 s5, $0x0;
	s5 =	sld [smem:$0x3FB4]  }
0x2b: {  	s6 =	sld [smem:$0x3FB5]  }
0x2c: {  	s7 =	sld [smem:$0x3FB6]  }
0x2d: {  	s3 =	simm.s32 $0x108;
	s8 =	sld [smem:$0x3FB7]  }
0x2e: {  	s3 =	simm.s32 @!p0 $0x1082;
	s9 =	sld [smem:$0x3FB8]  }
0x2f: {  	lr =	sadd.s32 s0, s3;
	s0 =	sld [smem:$0x3FAF]  }
0x30: {  	s3 =	sld [smem:$0x3FB2]  }
0x31: {  	[smem:$0x3FBB] =	sst s10  }
0x32: {  	s10 =	sld [smem:$0x3FB9];
	_ =	sdelay $0x3  }
0x33: {  	p0 =	seq.s32 s10, $0x1;
	s10 =	sld [smem:$0x3FBB];
	_ =	sdelay $0x3  }
0x34: {  	[smem:$0x3FBB] =	sst s10  }
0x35: {  	s10 =	sld [smem:$0x3FBA];
	_ =	sdelay $0x3  }
0x36: {  	p1 =	seq.s32 s10, $0x1;
	s10 =	sld [smem:$0x3FBB];
	_ =	sdelay $0x3  }
0x37: {  	[smem:$0x3FBB] =	sst s10  }
0x38: {  	s10 =	sld [smem:$0x3FBC]  }
0x39: {  	_ = 	snop;
	(pc) =	sbr.ind lr, $3  }
0x3a: {  	_ = 	snop  }
0x3b: {  	_ = 	snop  }
0x3c: {  	p2 =	seq.s32 s10, $0x1;
	s10 =	sld [smem:$0x3FBB]  }
0x3d: {  	_ =	shalt  }
0x3e: {  	_ =	shalt  }
0x3f: {  	_ =	shalt  }
0x40: {  	_ =	shalt  }
0x41: {  	_ =	shalt  }
0x42: {  	_ =	shalt  }
0x43: {  	_ =	shalt  }
0x44: {  	_ =	shalt  }
0x45: {  	_ =	shalt  }
0x46: {  	_ =	shalt  }
0x47: {  	_ =	shalt  }
0x48: {  	_ =	shalt  }
0x49: {  	_ =	shalt  }
0x4a: {  	_ =	shalt  }
0x4b: {  	_ =	shalt  }
0x4c: {  	_ =	shalt  }
0x4d: {  	_ =	shalt  }
0x4e: {  	_ =	shalt  }
0x4f: {  	_ =	shalt  }
0x50: {  	_ =	shalt  }
0x51: {  	_ =	shalt  }
0x52: {  	_ =	shalt  }
0x53: {  	_ =	shalt  }
0x54: {  	_ =	shalt  }
0x55: {  	_ =	shalt  }
0x56: {  	_ =	shalt  }
0x57: {  	_ =	shalt  }
0x58: {  	_ =	shalt  }
0x59: {  	_ =	shalt  }
0x5a: {  	_ =	shalt  }
0x5b: {  	_ =	shalt  }
0x5c: {  	_ =	shalt  }
0x5d: {  	_ =	shalt  }
0x5e: {  	_ =	shalt  }
0x5f: {  	_ =	shalt  }
0x60: {  	_ =	shalt  }
0x61: {  	_ =	shalt  }
0x62: {  	_ =	shalt  }
0x63: {  	_ =	shalt  }
0x64: {  	_ =	shalt  }
0x65: {  	_ =	shalt  }
0x66: {  	_ =	shalt  }
0x67: {  	_ =	shalt  }
0x68: {  	_ =	shalt  }
0x69: {  	_ =	shalt  }
0x6a: {  	_ =	shalt  }
0x6b: {  	_ =	shalt  }
0x6c: {  	_ =	shalt  }
0x6d: {  	_ =	shalt  }
0x6e: {  	_ =	shalt  }
0x6f: {  	_ =	shalt  }
0x70: {  	_ =	shalt  }
0x71: {  	_ =	shalt  }
0x72: {  	_ =	shalt  }
0x73: {  	_ =	shalt  }
0x74: {  	_ =	shalt  }
0x75: {  	_ =	shalt  }
0x76: {  	_ =	shalt  }
0x77: {  	_ =	shalt  }
0x78: {  	_ =	shalt  }
0x79: {  	_ =	shalt  }
0x7a: {  	_ =	shalt  }
0x7b: {  	_ =	shalt  }
0x7c: {  	_ =	shalt  }
0x7d: {  	_ =	shalt  }
0x7e: {  	_ =	shalt  }
0x7f: {  	_ =	shalt  }
0x80: {  	_ =	shalt  }
0x81: {  	_ =	shalt  }
0x82: {  	_ =	shalt  }
0x83: {  	_ =	shalt  }
0x84: {  	_ =	shalt  }
0x85: {  	_ =	shalt  }
0x86: {  	_ =	shalt  }
0x87: {  	_ =	shalt  }
.Lfunc_end0:
.L_simem_size_0:
called_computation_lowered:
.L_overlay_start_0:
0x88: {  	s2 =	sld [smem:$0x3FD9]  }
0x89: {  	s3 =	sld [smem:$0x3FFE];
	_ =	sdelay $0x1  }
0x8a: {  	s1 =	srdreg.scid  }
0x8b: {  	s0 =	sand.u32 $0x1, s1  }
0x8c: {  	s18 =	sshll.u32 s0, $0xA;
	s2 =	sadd.s32 s3, s2  }
0x8d: {  	s2 =	sadd.s32 s2, s18  }
0x8e: {  	[smem:$0x3FC7] =	sst s2  }
0x8f: {  	_ = 	snop  }
0x90: {  	s2 =	sld [smem:$0x3FC9]  }
0x91: {  	s19 =	sld [smem:$0x3FD0];
	(tm) =	ssettm $0x1  }
0x92: {  	s4 =	sld [smem:$0x3FFB];
	_ =	sdelay $0x3  }
0x93: {  	_ =	strace s4  }
0x94: {  	s4 =	sld [smem:$0x3FFC];
	_ =	sdelay $0x3  }
0x95: {  	_ =	strace s4  }
0x96: {  	s4 =	sld [smem:$0x3FFD];
	_ =	sdelay $0x3  }
0x97: {  	_ =	strace s4  }
0x98: {  	_ =	strace $0x8FFFFFFF  }
0x99: {  	s20 =	sld [smem:$0x3FDB];
	_ =	sdelay $0x1  }
0x9a: {  	s5 =	simm.s32 $_scs_section_size  }
0x9b: {  	s6 =	simm.s32 $_size__tile_overlayer_lowered;
	s7 =	simm.s32 $_tile_overlayer_lowered  }
0x9c: {  	s23 =	simm.s32 $0x1BFF;
	s22 =	sshll.u32 s7, $0x1;
	s4 =	sadd.s32 s5, s20  }
0x9d: {  	s8 =	simm.s32 $0x0;
	s21 =	sshll.u32 s6, $0x1;
	s6 =	sadd.s32 s22, s4  }
0x9e: {  	[timem:s8], [sflag:s23] =	dma.local [hbm:s6], s21  }
0x9f: {  	_ =	swait.ge [sflag:s23], s21  }
0xa0: {  	s5 =	ssub.s32 $0x0, s21;
	[sflag:s23] =	ssyncset.done $0x0  }
0xa1: {  	[sflag:s23] =	ssyncadd.s32 s5;
	_ =	sdelay $0x1  }
0xa2: {  	s24 =	simm.s32 $0x1B8B  }
0xa3: {  	_ =	swait.ge [sflag:s24], $0x1  }
0xa4: {  	[sflag:s24] =	ssyncset.done $0x0  }
0xa5: {  	s25 =	simm.s32 $0x1B8E;
	[sflag:s24] =	ssyncadd.s32 $0xFFFFFFFF  }
0xa6: {  	s26 =	simm.s32 $execute0_lowered;
	[smem:$0x3FD2] =	sst s25  }
0xa7: {  	s5 =	sshll.u32 s26, $0x1;
	_ =	strace $0x80000046;
	[dreg:$0x1] =	wrdreg $0xFFFFFFFF  }
0xa8: {  	s28 =	simm.s32 $_size_execute0_lowered;
	s4 =	sadd.s32 s4, s5;
	[dreg:$0x0] =	wrdreg $0x0  }
0xa9: {  	s5 =	sshll.u32 s28, $0x1;
	[dreg:$0x2] =	wrdreg s4  }
0xaa: {  	[dreg:$0x3] =	wrdreg s5  }
0xab: {  	[dreg:$0x4] =	wrdreg $0xC0  }
0xac: {  	_ =	task [dreg:s8], $0x5FFFF  }
0xad: {  	[dreg:$0x1] =	wrdreg $0xFFFFFFFF  }
0xae: {  	[dreg:$0x0] =	wrdreg $0x60  }
0xaf: {  	[dreg:$0x2] =	wrdreg s2  }
0xb0: {  	[dreg:$0x3] =	wrdreg s19  }
0xb1: {  	[dreg:$0x4] =	wrdreg $0x9  }
0xb2: {  	_ =	task.clear_ibuf [dreg:s8], $0x5FFFF;
	_ =	strace $0x90000046  }
0xb3: {  	s29 =	simm.s32 $0x9;
	_ =	strace $0x80000048  }
0xb4: {  	_ =	swait.ge [sflag:s29], $0x1  }
0xb5: {  	[sflag:s29] =	ssyncadd.s32 $0xFFFFFFFF  }
0xb6: {  	_ =	strace $0x90000048  }
0xb7: {  	_ =	sfence  }
0xb8: {  	s30 =	sld [smem:$0x0];
	_ =	sdelay $0x2  }
0xb9: {  	s31 =	sshll.u32 s1, $0xD;
	s1 =	sshrl.u32 s1, $0x2  }
0xba: {  	s3 =	sand.u32 $0x4000, s31;
	s1 =	sadd.s32 s1, s30  }
0xbb: {  	s0 =	sor.u32 s3, s0;
	s1 =	sshll.u32 s1, $0x11  }
0xbc: {  	s0 =	sor.u32 s1, s0  }
0xbd: {  	s0 =	sadd.s32 $0x8F2B, s0  }
0xbe: {  	[sflag:s0] =	ssyncadd.remote.s32 $0x1  }
0xbf: {  	_ =	sfence.sel $0xFFFF  }
0xc0: {  	[dreg:$0x0] =	wrdreg $0xFFFFFFFF;
	(pc) =	sbr.abs _section_cstart, $3  }
0xc1: {  	[dreg:$0x1] =	wrdreg $0xFFFFFFFF  }
0xc2: {  	_ =	task.clear_ibuf [dreg:s8], $0x2FFFF;
	_ =	strace $0x9FFFFFFF  }
0xc3: {  	(tm) =	ssettm $0x7FFFFFFF  }
tec
execute0_lowered:
.L_overlay_start_1:
0x0: {  	(tag) =	ssettag $0x1  }
0x1: {  	s0 =	srdreg.scid  }
0x2: {  	s4 =	stileid.u32;
	s1 =	sand.u32 $0x1, s0  }
0x3: {  	s14 =	sshll.u32 s4, $0x7;
	s2 =	sshll.u32 s1, $0x6  }
0x4: {  	s16 =	rddreg [dreg:$0x0];
	s0 =	sor.u32 s2, s14  }
0x5: {  	s30 =	rddreg [dreg:$0x1];
	s15 =	simm.s32 $0x0;
	s17 =	smul.u32 $0xD00, s0  }
0x6: {  	[smem:$0x7FF] =	sst s15  }
0x7: {  	[dreg:$0x1f] =	wrdreg s1;
	s18 =	sor.u32 $0xC80, s17  }
0x8: {  	[smem:$0x7FB] =	sst s18;
	s0 =	sadd.s32 s16, s18  }
0x9: {  	s20 =	sor.u32 $0xC00, s17;
	_ =	strace $0x80000047;
	[dreg:$0x3] =	wrdreg s0  }
0xa: {  	s19 =	sadd.s32 s30, s17;
	[smem:$0x7FA] =	sst s20  }
0xb: {  	s22 =	sor.u32 $0x80, s17;
	[dreg:$0x4] =	wrdreg s19  }
0xc: {  	s21 =	sadd.s32 s16, s20;
	[smem:$0x7F5] =	sst s22  }
0xd: {  	s24 =	sor.u32 $0xB80, s17;
	[dreg:$0x5] =	wrdreg s21  }
0xe: {  	s23 =	sadd.s32 s30, s22;
	[smem:$0x7F9] =	sst s24  }
0xf: {  	s26 =	sor.u32 $0x100, s17;
	[dreg:$0x6] =	wrdreg s23  }
0x10: {  	s25 =	sadd.s32 s16, s24;
	[smem:$0x7F4] =	sst s26  }
0x11: {  	s3 =	sor.u32 $0xB00, s17;
	[dreg:$0x7] =	wrdreg s25  }
0x12: {  	s2 =	sadd.s32 s30, s26;
	[smem:$0x7F8] =	sst s3  }
0x13: {  	s5 =	sadd.s32 s16, s3;
	[dreg:$0x8] =	wrdreg s2  }
0x14: {  	s28 =	sor.u32 $0x180, s17;
	s7 =	sor.u32 $0xA80, s17;
	[dreg:$0x9] =	wrdreg s5  }
0x15: {  	s6 =	sadd.s32 s30, s28;
	[smem:$0x7F7] =	sst s7  }
0x16: {  	s8 =	sadd.s32 s16, s7;
	[dreg:$0xa] =	wrdreg s6  }
0x17: {  	s14 =	sor.u32 $0x200, s17;
	s10 =	sor.u32 $0xA00, s17;
	[dreg:$0xb] =	wrdreg s8  }
0x18: {  	s9 =	sadd.s32 s30, s14;
	[smem:$0x7F6] =	sst s10  }
0x19: {  	s12 =	sor.u32 $0x280, s17;
	s11 =	sadd.s32 s16, s10;
	[dreg:$0xc] =	wrdreg s9  }
0x1a: {  	s15 =	sor.u32 $0x980, s17;
	s13 =	sadd.s32 s30, s12;
	[dreg:$0xd] =	wrdreg s11  }
0x1b: {  	s18 =	sadd.s32 s16, s15;
	[dreg:$0xe] =	wrdreg s13;
	s10 =	sor.u32 $0x300, s17  }
0x1c: {  	[dreg:$0xf] =	wrdreg s18;
	s13 =	sor.u32 $0x900, s17;
	s19 =	sadd.s32 s30, s10  }
0x1d: {  	s9 =	sor.u32 $0x380, s17;
	s20 =	sadd.s32 s16, s13;
	[dreg:$0x10] =	wrdreg s19  }
0x1e: {  	s11 =	sor.u32 $0x880, s17;
	s21 =	sadd.s32 s30, s9;
	[dreg:$0x11] =	wrdreg s20  }
0x1f: {  	s8 =	sor.u32 $0x400, s17;
	s22 =	sadd.s32 s16, s11;
	[dreg:$0x12] =	wrdreg s21  }
0x20: {  	s7 =	sor.u32 $0x480, s17;
	s23 =	sadd.s32 s30, s8;
	[dreg:$0x13] =	wrdreg s22  }
0x21: {  	s6 =	sor.u32 $0x500, s17;
	s25 =	sadd.s32 s30, s7;
	[dreg:$0x14] =	wrdreg s23  }
0x22: {  	s5 =	sor.u32 $0x580, s17;
	s1 =	sadd.s32 s30, s6;
	[dreg:$0x16] =	wrdreg s25  }
0x23: {  	s18 =	sor.u32 $0x680, s17;
	s3 =	sadd.s32 s30, s5;
	[dreg:$0x18] =	wrdreg s1  }
0x24: {  	s21 =	sor.u32 $0x800, s17;
	[dreg:$0x1a] =	wrdreg s3;
	s22 =	sadd.s32 s16, s18  }
0x25: {  	s20 =	sor.u32 $0x780, s17;
	s24 =	sadd.s32 s16, s21;
	[dreg:$0x1b] =	wrdreg s22  }
0x26: {  	s19 =	sor.u32 $0x700, s17;
	s26 =	sadd.s32 s16, s20;
	[dreg:$0x15] =	wrdreg s24  }
0x27: {  	s3 =	sor.u32 $0x600, s17;
	s2 =	sadd.s32 s16, s19;
	[dreg:$0x17] =	wrdreg s26  }
0x28: {  	s23 =	sadd.s32 s30, s3;
	[dreg:$0x19] =	wrdreg s2  }
0x29: {  	[dreg:$0x1c] =	wrdreg s23  }
0x2a: {  	s4 =	sshll.u32 s4, $0x6;
	s24 =	rddreg [dreg:$0x3]  }
0x2b: {  	s25 =	sadd.s32 s16, s3;
	s3 =	simm.s32 $0x8;
	s26 =	rddreg [dreg:$0x4]  }
0x2c: {  	[dreg:$0x1d] =	wrdreg s25;
	s2 =	sor.u32 $0x1C01, s4;
	s4 =	simm.s32 $0xD00  }
0x2d: {  	[hbm:s26@s4], [sflag:s2] =	dma.strided [hbm:s24@s4], $0x2000, s3, $0x10   }
0x2e: {  	s0 =	rddreg [dreg:$0x5]  }
0x2f: {  	s1 =	rddreg [dreg:$0x6]  }
0x30: {  	[hbm:s1@s4], [sflag:s2] =	dma.strided [hbm:s0@s4], $0x2000, s3, $0x10   }
0x31: {  	s0 =	rddreg [dreg:$0x7]  }
0x32: {  	s1 =	rddreg [dreg:$0x8]  }
0x33: {  	[hbm:s1@s4], [sflag:s2] =	dma.strided [hbm:s0@s4], $0x2000, s3, $0x10   }
0x34: {  	s0 =	rddreg [dreg:$0x9]  }
0x35: {  	s1 =	rddreg [dreg:$0xa]  }
0x36: {  	[hbm:s1@s4], [sflag:s2] =	dma.strided [hbm:s0@s4], $0x2000, s3, $0x10   }
0x37: {  	s0 =	rddreg [dreg:$0xb]  }
0x38: {  	s1 =	rddreg [dreg:$0xc]  }
0x39: {  	[hbm:s1@s4], [sflag:s2] =	dma.strided [hbm:s0@s4], $0x2000, s3, $0x10   }
0x3a: {  	s0 =	rddreg [dreg:$0xd]  }
0x3b: {  	s1 =	rddreg [dreg:$0xe]  }
0x3c: {  	[hbm:s1@s4], [sflag:s2] =	dma.strided [hbm:s0@s4], $0x2000, s3, $0x10   }
0x3d: {  	s0 =	rddreg [dreg:$0xf]  }
0x3e: {  	s1 =	rddreg [dreg:$0x10]  }
0x3f: {  	[hbm:s1@s4], [sflag:s2] =	dma.strided [hbm:s0@s4], $0x2000, s3, $0x10   }
0x40: {  	s0 =	rddreg [dreg:$0x11]  }
0x41: {  	s1 =	rddreg [dreg:$0x12]  }
0x42: {  	[hbm:s1@s4], [sflag:s2] =	dma.strided [hbm:s0@s4], $0x2000, s3, $0x10   }
0x43: {  	s0 =	rddreg [dreg:$0x13]  }
0x44: {  	s1 =	rddreg [dreg:$0x14]  }
0x45: {  	[hbm:s1@s4], [sflag:s2] =	dma.strided [hbm:s0@s4], $0x2000, s3, $0x10   }
0x46: {  	s0 =	rddreg [dreg:$0x15]  }
0x47: {  	s1 =	rddreg [dreg:$0x16]  }
0x48: {  	[hbm:s1@s4], [sflag:s2] =	dma.strided [hbm:s0@s4], $0x2000, s3, $0x10   }
0x49: {  	s0 =	rddreg [dreg:$0x17]  }
0x4a: {  	s1 =	rddreg [dreg:$0x18]  }
0x4b: {  	[hbm:s1@s4], [sflag:s2] =	dma.strided [hbm:s0@s4], $0x2000, s3, $0x10   }
0x4c: {  	s0 =	rddreg [dreg:$0x19]  }
0x4d: {  	s1 =	rddreg [dreg:$0x1a]  }
0x4e: {  	[hbm:s1@s4], [sflag:s2] =	dma.strided [hbm:s0@s4], $0x2000, s3, $0x10   }
0x4f: {  	s0 =	rddreg [dreg:$0x1b]  }
0x50: {  	s26 =	sadd.s32 s16, s14;
	s14 =	sadd.s32 s16, s17;
	s1 =	rddreg [dreg:$0x1c]  }
0x51: {  	[hbm:s1@s4], [sflag:s2] =	dma.strided [hbm:s0@s4], $0x2000, s3, $0x10   }
0x52: {  	[smem:$0x7FD] =	sst s14  }
0x53: {  	s0 =	sld [smem:$0x7F4]  }
0x54: {  	s25 =	sadd.s32 s16, s12;
	s1 =	sadd.s32 s16, s5;
	s12 =	sld [smem:$0x7F5]  }
0x55: {  	s5 =	sadd.s32 s16, s6;
	s6 =	sadd.s32 s30, s18;
	s18 =	rddreg [dreg:$0x1d]  }
0x56: {  	s28 =	sadd.s32 s16, s28;
	s17 =	sld [smem:$0x7F8]  }
0x57: {  	s31 =	sadd.s32 s16, s7;
	s7 =	sadd.s32 s30, s19;
	s19 =	sld [smem:$0x7F9]  }
0x58: {  	s22 =	sadd.s32 s16, s8;
	s8 =	sadd.s32 s30, s20;
	s20 =	sld [smem:$0x7FA]  }
0x59: {  	s23 =	sadd.s32 s16, s9;
	s9 =	sadd.s32 s30, s21;
	s21 =	sld [smem:$0x7FB]  }
0x5a: {  	s24 =	sadd.s32 s16, s10;
	[dreg:$0x1e] =	wrdreg s6;
	s29 =	sadd.s32 s16, s0  }
0x5b: {  	s0 =	sadd.s32 s16, s12;
	s12 =	sadd.s32 s30, s15;
	s15 =	sld [smem:$0x7F6]  }
0x5c: {  	s10 =	sadd.s32 s30, s11;
	s11 =	sadd.s32 s30, s13;
	s16 =	sld [smem:$0x7F7]  }
0x5d: {  	[smem:$0x7FC] =	sst s0;
	s0 =	sadd.s32 s30, s21;
	s21 =	smov.u32 s9  }
0x5e: {  	[hbm:s6@s4], [sflag:s2] =	dma.strided [hbm:s18@s4], $0x2000, s3, $0x10   }
0x5f: {  	s6 =	smov.u32 s1;
	s18 =	smov.u32 s23;
	s13 =	sadd.s32 s30, s15  }
0x60: {  	s14 =	sadd.s32 s30, s16;
	s15 =	sadd.s32 s30, s17;
	s16 =	sadd.s32 s30, s19  }
0x61: {  	[hbm:s7@s4], [sflag:s2] =	dma.strided [hbm:s1@s4], $0x2000, s3, $0x10   }
0x62: {  	[hbm:s8@s4], [sflag:s2] =	dma.strided [hbm:s5@s4], $0x2000, s3, $0x10   }
0x63: {  	[hbm:s9@s4], [sflag:s2] =	dma.strided [hbm:s31@s4], $0x2000, s3, $0x10   }
0x64: {  	s17 =	sadd.s32 s30, s20;
	s19 =	smov.u32 s22;
	s9 =	smov.u32 s22  }
0x65: {  	[hbm:s10@s4], [sflag:s2] =	dma.strided [hbm:s19@s4], $0x2000, s3, $0x10   }
0x66: {  	s22 =	smov.u32 s10;
	s10 =	smov.u32 s23;
	s19 =	smov.u32 s24  }
0x67: {  	[hbm:s11@s4], [sflag:s2] =	dma.strided [hbm:s18@s4], $0x2000, s3, $0x10   }
0x68: {  	[hbm:s12@s4], [sflag:s2] =	dma.strided [hbm:s19@s4], $0x2000, s3, $0x10   }
0x69: {  	s23 =	smov.u32 s11;
	s18 =	smov.u32 s25;
	s19 =	smov.u32 s26  }
0x6a: {  	[hbm:s13@s4], [sflag:s2] =	dma.strided [hbm:s18@s4], $0x2000, s3, $0x10   }
0x6b: {  	[hbm:s14@s4], [sflag:s2] =	dma.strided [hbm:s19@s4], $0x2000, s3, $0x10   }
0x6c: {  	s11 =	smov.u32 s24;
	s18 =	smov.u32 s28;
	s19 =	smov.u32 s29  }
0x6d: {  	[hbm:s15@s4], [sflag:s2] =	dma.strided [hbm:s18@s4], $0x2000, s3, $0x10   }
0x6e: {  	[hbm:s16@s4], [sflag:s2] =	dma.strided [hbm:s19@s4], $0x2000, s3, $0x10   }
0x6f: {  	s24 =	smov.u32 s12;
	s12 =	smov.u32 s25;
	s1 =	sld [smem:$0x7FC]  }
0x70: {  	s25 =	smov.u32 s13;
	s13 =	smov.u32 s26;
	s26 =	smov.u32 s14  }
0x71: {  	s14 =	smov.u32 s28;
	s28 =	smov.u32 s15;
	s15 =	smov.u32 s29  }
0x72: {  	[hbm:s17@s4], [sflag:s2] =	dma.strided [hbm:s1@s4], $0x2000, s3, $0x10   }
0x73: {  	s29 =	smov.u32 s16;
	s16 =	smov.u32 s1;
	s1 =	sld [smem:$0x7FD]  }
0x74: {  	_ = 	snop  }
0x75: {  	s20 =	smov.u32 s8;
	s8 =	smov.u32 s31;
	s31 =	simm.s32 $0x1  }
0x76: {  	[hbm:s0@s4], [sflag:s2] =	dma.strided [hbm:s1@s4], $0x2000, s3, $0x10   }
0x77: {  	_ =	swait.ge [sflag:s31], $0x2000  }
0x78: {  	[sflag:s31] =	ssyncset.done $0x0  }
0x79: {  	[sflag:s31] =	ssyncadd.s32 $0xFFFFE000  }
0x7a: {  	_ =	swait.ge [sflag:s31], $0x2000  }
0x7b: {  	[sflag:s31] =	ssyncset.done $0x0  }
0x7c: {  	[sflag:s31] =	ssyncadd.s32 $0xFFFFE000  }
0x7d: {  	_ =	swait.ge [sflag:s31], $0x2000  }
0x7e: {  	[sflag:s31] =	ssyncset.done $0x0  }
0x7f: {  	[sflag:s31] =	ssyncadd.s32 $0xFFFFE000  }
0x80: {  	_ =	swait.ge [sflag:s31], $0x2000  }
0x81: {  	[sflag:s31] =	ssyncset.done $0x0  }
0x82: {  	[sflag:s31] =	ssyncadd.s32 $0xFFFFE000  }
0x83: {  	_ =	swait.ge [sflag:s31], $0x2000  }
0x84: {  	[sflag:s31] =	ssyncset.done $0x0  }
0x85: {  	[sflag:s31] =	ssyncadd.s32 $0xFFFFE000  }
0x86: {  	_ =	swait.ge [sflag:s31], $0x2000  }
0x87: {  	[sflag:s31] =	ssyncset.done $0x0  }
0x88: {  	[sflag:s31] =	ssyncadd.s32 $0xFFFFE000  }
0x89: {  	_ =	swait.ge [sflag:s31], $0x2000  }
0x8a: {  	[sflag:s31] =	ssyncset.done $0x0  }
0x8b: {  	[sflag:s31] =	ssyncadd.s32 $0xFFFFE000  }
0x8c: {  	_ =	swait.ge [sflag:s31], $0x2000  }
0x8d: {  	[sflag:s31] =	ssyncset.done $0x0  }
0x8e: {  	[sflag:s31] =	ssyncadd.s32 $0xFFFFE000  }
0x8f: {  	_ =	swait.ge [sflag:s31], $0x2000  }
0x90: {  	[sflag:s31] =	ssyncset.done $0x0  }
0x91: {  	[sflag:s31] =	ssyncadd.s32 $0xFFFFE000  }
0x92: {  	_ =	swait.ge [sflag:s31], $0x2000  }
0x93: {  	[sflag:s31] =	ssyncset.done $0x0  }
0x94: {  	[sflag:s31] =	ssyncadd.s32 $0xFFFFE000  }
0x95: {  	_ =	swait.ge [sflag:s31], $0x2000  }
0x96: {  	[sflag:s31] =	ssyncset.done $0x0  }
0x97: {  	[sflag:s31] =	ssyncadd.s32 $0xFFFFE000  }
0x98: {  	_ =	swait.ge [sflag:s31], $0x2000  }
0x99: {  	[sflag:s31] =	ssyncset.done $0x0  }
0x9a: {  	[sflag:s31] =	ssyncadd.s32 $0xFFFFE000  }
0x9b: {  	_ =	swait.ge [sflag:s31], $0x2000  }
0x9c: {  	[sflag:s31] =	ssyncset.done $0x0  }
0x9d: {  	[sflag:s31] =	ssyncadd.s32 $0xFFFFE000  }
0x9e: {  	_ =	swait.ge [sflag:s31], $0x2000  }
0x9f: {  	[sflag:s31] =	ssyncset.done $0x0  }
0xa0: {  	[sflag:s31] =	ssyncadd.s32 $0xFFFFE000  }
0xa1: {  	_ =	swait.ge [sflag:s31], $0x2000  }
0xa2: {  	[sflag:s31] =	ssyncset.done $0x0  }
0xa3: {  	[sflag:s31] =	ssyncadd.s32 $0xFFFFE000  }
0xa4: {  	_ =	swait.ge [sflag:s31], $0x2000  }
0xa5: {  	[sflag:s31] =	ssyncset.done $0x0  }
0xa6: {  	[sflag:s31] =	ssyncadd.s32 $0xFFFFE000  }
0xa7: {  	_ =	swait.ge [sflag:s31], $0x2000  }
0xa8: {  	[sflag:s31] =	ssyncset.done $0x0  }
0xa9: {  	[sflag:s31] =	ssyncadd.s32 $0xFFFFE000  }
0xaa: {  	_ =	swait.ge [sflag:s31], $0x2000  }
0xab: {  	[sflag:s31] =	ssyncset.done $0x0  }
0xac: {  	[sflag:s31] =	ssyncadd.s32 $0xFFFFE000  }
0xad: {  	_ =	swait.ge [sflag:s31], $0x2000  }
0xae: {  	[sflag:s31] =	ssyncset.done $0x0  }
0xaf: {  	[sflag:s31] =	ssyncadd.s32 $0xFFFFE000  }
0xb0: {  	_ =	swait.ge [sflag:s31], $0x2000  }
0xb1: {  	s30 =	smov.u32 s17;
	s17 =	smov.u32 s1;
	s1 =	rddreg [dreg:$0x1f]  }
0xb2: {  	s18 =	smov.u32 s0;
	s0 =	ssub.s32 $0x2, s1  }
0xb3: {  	s19 =	sshrl.u32 s0, $0x1  }
0xb4: {  	s0 =	ssub.s32 s0, s19  }
0xb5: {  	[sflag:s31] =	ssyncset.done $0x0;
	s0 =	smax.u32 s0, $0x1  }
0xb6: {  	[sflag:s31] =	ssyncadd.s32 $0xFFFFE000;
	p0 =	sne.s32 s0, $0x1  }
.Ltmp0:
0xb7: {  	_ =	swait.ge [sflag:s31], $0x2000;
	(pc) =	sbr.rel @!p0 .LBB2_3-.Ltmp0, $4  }
0xb8: {  	[sflag:s31] =	ssyncset.done $0x0  }
0xb9: {  	[sflag:s31] =	ssyncadd.s32 $0xFFFFE000  }
0xba: {  	_ =	swait.ge [sflag:s31], $0x2000  }
0xbb: {  	s1 =	sadd.s32 $0xFFFFFFFF, s0;
	[sflag:s31] =	ssyncset.done $0x0  }
0xbc: {  	s19 =	smov.u32 s7;
	s7 =	smov.u32 s5  }
.LBB2_2:
0xbd: {  	[sflag:s31] =	ssyncadd.s32 $0xFFFFE000  }
0xbe: {  	_ =	swait.ge [sflag:s31], $0x2000  }
0xbf: {  	[sflag:s31] =	ssyncset.done $0x0  }
0xc0: {  	[sflag:s31] =	ssyncadd.s32 $0xFFFFE000  }
0xc1: {  	_ =	swait.ge [sflag:s31], $0x2000  }
0xc2: {  	[sflag:s31] =	ssyncset.done $0x0  }
0xc3: {  	[sflag:s31] =	ssyncadd.s32 $0xFFFFE000  }
0xc4: {  	_ =	swait.ge [sflag:s31], $0x2000  }
0xc5: {  	[sflag:s31] =	ssyncset.done $0x0  }
0xc6: {  	[sflag:s31] =	ssyncadd.s32 $0xFFFFE000  }
0xc7: {  	_ =	swait.ge [sflag:s31], $0x2000  }
0xc8: {  	s0 =	rddreg [dreg:$0x3];
	[sflag:s31] =	ssyncset.done $0x0  }
0xc9: {  	s5 =	rddreg [dreg:$0x4];
	[sflag:s31] =	ssyncadd.s32 $0xFFFFE000  }
0xca: {  	[hbm:s5@s4], [sflag:s2] =	dma.strided [hbm:s0@s4], $0x2000, s3, $0x10   }
0xcb: {  	s0 =	rddreg [dreg:$0x5]  }
0xcc: {  	s5 =	rddreg [dreg:$0x6]  }
0xcd: {  	[hbm:s5@s4], [sflag:s2] =	dma.strided [hbm:s0@s4], $0x2000, s3, $0x10   }
0xce: {  	s0 =	rddreg [dreg:$0x7]  }
0xcf: {  	s5 =	rddreg [dreg:$0x8]  }
0xd0: {  	[hbm:s5@s4], [sflag:s2] =	dma.strided [hbm:s0@s4], $0x2000, s3, $0x10   }
0xd1: {  	s0 =	rddreg [dreg:$0x9]  }
0xd2: {  	s5 =	rddreg [dreg:$0xa]  }
0xd3: {  	[hbm:s5@s4], [sflag:s2] =	dma.strided [hbm:s0@s4], $0x2000, s3, $0x10   }
0xd4: {  	s0 =	rddreg [dreg:$0xb]  }
0xd5: {  	s5 =	rddreg [dreg:$0xc]  }
0xd6: {  	[hbm:s5@s4], [sflag:s2] =	dma.strided [hbm:s0@s4], $0x2000, s3, $0x10   }
0xd7: {  	s0 =	rddreg [dreg:$0xd]  }
0xd8: {  	s5 =	rddreg [dreg:$0xe]  }
0xd9: {  	[hbm:s5@s4], [sflag:s2] =	dma.strided [hbm:s0@s4], $0x2000, s3, $0x10   }
0xda: {  	s0 =	rddreg [dreg:$0xf]  }
0xdb: {  	s5 =	rddreg [dreg:$0x10]  }
0xdc: {  	[hbm:s5@s4], [sflag:s2] =	dma.strided [hbm:s0@s4], $0x2000, s3, $0x10   }
0xdd: {  	s0 =	rddreg [dreg:$0x11]  }
0xde: {  	s5 =	rddreg [dreg:$0x12]  }
0xdf: {  	[hbm:s5@s4], [sflag:s2] =	dma.strided [hbm:s0@s4], $0x2000, s3, $0x10   }
0xe0: {  	s0 =	rddreg [dreg:$0x13]  }
0xe1: {  	s5 =	rddreg [dreg:$0x14]  }
0xe2: {  	[hbm:s5@s4], [sflag:s2] =	dma.strided [hbm:s0@s4], $0x2000, s3, $0x10   }
0xe3: {  	s0 =	rddreg [dreg:$0x15]  }
0xe4: {  	s5 =	rddreg [dreg:$0x16]  }
0xe5: {  	[hbm:s5@s4], [sflag:s2] =	dma.strided [hbm:s0@s4], $0x2000, s3, $0x10   }
0xe6: {  	s0 =	rddreg [dreg:$0x17]  }
0xe7: {  	s5 =	rddreg [dreg:$0x18]  }
0xe8: {  	[hbm:s5@s4], [sflag:s2] =	dma.strided [hbm:s0@s4], $0x2000, s3, $0x10   }
0xe9: {  	s0 =	rddreg [dreg:$0x19]  }
0xea: {  	s5 =	rddreg [dreg:$0x1a]  }
0xeb: {  	[hbm:s5@s4], [sflag:s2] =	dma.strided [hbm:s0@s4], $0x2000, s3, $0x10   }
0xec: {  	s0 =	rddreg [dreg:$0x1b]  }
0xed: {  	s5 =	rddreg [dreg:$0x1c]  }
0xee: {  	[hbm:s5@s4], [sflag:s2] =	dma.strided [hbm:s0@s4], $0x2000, s3, $0x10   }
0xef: {  	s0 =	rddreg [dreg:$0x1d]  }
0xf0: {  	s5 =	rddreg [dreg:$0x1e]  }
0xf1: {  	[hbm:s5@s4], [sflag:s2] =	dma.strided [hbm:s0@s4], $0x2000, s3, $0x10   }
0xf2: {  	[hbm:s19@s4], [sflag:s2] =	dma.strided [hbm:s6@s4], $0x2000, s3, $0x10   }
0xf3: {  	[hbm:s20@s4], [sflag:s2] =	dma.strided [hbm:s7@s4], $0x2000, s3, $0x10   }
0xf4: {  	[hbm:s21@s4], [sflag:s2] =	dma.strided [hbm:s8@s4], $0x2000, s3, $0x10   }
0xf5: {  	[hbm:s22@s4], [sflag:s2] =	dma.strided [hbm:s9@s4], $0x2000, s3, $0x10   }
0xf6: {  	[hbm:s23@s4], [sflag:s2] =	dma.strided [hbm:s10@s4], $0x2000, s3, $0x10   }
0xf7: {  	[hbm:s24@s4], [sflag:s2] =	dma.strided [hbm:s11@s4], $0x2000, s3, $0x10   }
0xf8: {  	[hbm:s25@s4], [sflag:s2] =	dma.strided [hbm:s12@s4], $0x2000, s3, $0x10   }
0xf9: {  	[hbm:s26@s4], [sflag:s2] =	dma.strided [hbm:s13@s4], $0x2000, s3, $0x10   }
0xfa: {  	[hbm:s28@s4], [sflag:s2] =	dma.strided [hbm:s14@s4], $0x2000, s3, $0x10   }
0xfb: {  	[hbm:s29@s4], [sflag:s2] =	dma.strided [hbm:s15@s4], $0x2000, s3, $0x10   }
0xfc: {  	[hbm:s30@s4], [sflag:s2] =	dma.strided [hbm:s16@s4], $0x2000, s3, $0x10   }
0xfd: {  	[hbm:s18@s4], [sflag:s2] =	dma.strided [hbm:s17@s4], $0x2000, s3, $0x10   }
0xfe: {  	_ =	swait.ge [sflag:s31], $0x2000  }
0xff: {  	[sflag:s31] =	ssyncset.done $0x0  }
0x100: {  	[sflag:s31] =	ssyncadd.s32 $0xFFFFE000  }
0x101: {  	_ =	swait.ge [sflag:s31], $0x2000  }
0x102: {  	[sflag:s31] =	ssyncset.done $0x0  }
0x103: {  	[sflag:s31] =	ssyncadd.s32 $0xFFFFE000  }
0x104: {  	_ =	swait.ge [sflag:s31], $0x2000  }
0x105: {  	[sflag:s31] =	ssyncset.done $0x0  }
0x106: {  	[sflag:s31] =	ssyncadd.s32 $0xFFFFE000  }
0x107: {  	_ =	swait.ge [sflag:s31], $0x2000  }
0x108: {  	[sflag:s31] =	ssyncset.done $0x0  }
0x109: {  	[sflag:s31] =	ssyncadd.s32 $0xFFFFE000  }
0x10a: {  	_ =	swait.ge [sflag:s31], $0x2000  }
0x10b: {  	[sflag:s31] =	ssyncset.done $0x0  }
0x10c: {  	[sflag:s31] =	ssyncadd.s32 $0xFFFFE000  }
0x10d: {  	_ =	swait.ge [sflag:s31], $0x2000  }
0x10e: {  	[sflag:s31] =	ssyncset.done $0x0  }
0x10f: {  	[sflag:s31] =	ssyncadd.s32 $0xFFFFE000  }
0x110: {  	_ =	swait.ge [sflag:s31], $0x2000  }
0x111: {  	[sflag:s31] =	ssyncset.done $0x0  }
0x112: {  	[sflag:s31] =	ssyncadd.s32 $0xFFFFE000  }
0x113: {  	_ =	swait.ge [sflag:s31], $0x2000  }
0x114: {  	[sflag:s31] =	ssyncset.done $0x0  }
0x115: {  	[sflag:s31] =	ssyncadd.s32 $0xFFFFE000  }
0x116: {  	_ =	swait.ge [sflag:s31], $0x2000  }
0x117: {  	[sflag:s31] =	ssyncset.done $0x0  }
0x118: {  	[sflag:s31] =	ssyncadd.s32 $0xFFFFE000  }
0x119: {  	_ =	swait.ge [sflag:s31], $0x2000  }
0x11a: {  	[sflag:s31] =	ssyncset.done $0x0  }
0x11b: {  	[sflag:s31] =	ssyncadd.s32 $0xFFFFE000  }
0x11c: {  	_ =	swait.ge [sflag:s31], $0x2000  }
0x11d: {  	[sflag:s31] =	ssyncset.done $0x0  }
0x11e: {  	[sflag:s31] =	ssyncadd.s32 $0xFFFFE000  }
0x11f: {  	_ =	swait.ge [sflag:s31], $0x2000  }
0x120: {  	[sflag:s31] =	ssyncset.done $0x0  }
0x121: {  	[sflag:s31] =	ssyncadd.s32 $0xFFFFE000  }
0x122: {  	_ =	swait.ge [sflag:s31], $0x2000  }
0x123: {  	[sflag:s31] =	ssyncset.done $0x0  }
0x124: {  	[sflag:s31] =	ssyncadd.s32 $0xFFFFE000  }
0x125: {  	_ =	swait.ge [sflag:s31], $0x2000  }
0x126: {  	[sflag:s31] =	ssyncset.done $0x0  }
0x127: {  	[sflag:s31] =	ssyncadd.s32 $0xFFFFE000  }
0x128: {  	_ =	swait.ge [sflag:s31], $0x2000  }
0x129: {  	[sflag:s31] =	ssyncset.done $0x0  }
0x12a: {  	[sflag:s31] =	ssyncadd.s32 $0xFFFFE000  }
0x12b: {  	_ =	swait.ge [sflag:s31], $0x2000  }
0x12c: {  	[sflag:s31] =	ssyncset.done $0x0  }
0x12d: {  	[sflag:s31] =	ssyncadd.s32 $0xFFFFE000  }
0x12e: {  	_ =	swait.ge [sflag:s31], $0x2000  }
0x12f: {  	[sflag:s31] =	ssyncset.done $0x0  }
0x130: {  	[sflag:s31] =	ssyncadd.s32 $0xFFFFE000  }
0x131: {  	_ =	swait.ge [sflag:s31], $0x2000  }
0x132: {  	[sflag:s31] =	ssyncset.done $0x0  }
0x133: {  	[sflag:s31] =	ssyncadd.s32 $0xFFFFE000  }
0x134: {  	_ =	swait.ge [sflag:s31], $0x2000  }
0x135: {  	[sflag:s31] =	ssyncset.done $0x0  }
0x136: {  	[sflag:s31] =	ssyncadd.s32 $0xFFFFE000  }
0x137: {  	_ =	swait.ge [sflag:s31], $0x2000  }
0x138: {  	[sflag:s31] =	ssyncset.done $0x0  }
0x139: {  	p0 =	sne.s32 s1, $0x1;
	[sflag:s31] =	ssyncadd.s32 $0xFFFFE000  }
.Ltmp1:
0x13a: {  	_ =	swait.ge [sflag:s31], $0x2000;
	(pc) =	sbr.rel @p0 .LBB2_2-.Ltmp1, $4  }
0x13b: {  	[sflag:s31] =	ssyncset.done $0x0  }
0x13c: {  	[sflag:s31] =	ssyncadd.s32 $0xFFFFE000  }
0x13d: {  	_ =	swait.ge [sflag:s31], $0x2000  }
0x13e: {  	s1 =	sadd.s32 $0xFFFFFFFF, s1;
	[sflag:s31] =	ssyncset.done $0x0  }
.LBB2_3:
0x13f: {  	[sflag:s31] =	ssyncadd.s32 $0xFFFFE000  }
0x140: {  	_ =	swait.ge [sflag:s31], $0x2000  }
0x141: {  	[sflag:s31] =	ssyncset.done $0x0  }
0x142: {  	[sflag:s31] =	ssyncadd.s32 $0xFFFFE000  }
0x143: {  	_ =	swait.ge [sflag:s31], $0x2000  }
0x144: {  	[sflag:s31] =	ssyncset.done $0x0  }
0x145: {  	[sflag:s31] =	ssyncadd.s32 $0xFFFFE000  }
0x146: {  	_ =	swait.ge [sflag:s31], $0x2000  }
0x147: {  	[sflag:s31] =	ssyncset.done $0x0  }
0x148: {  	[sflag:s31] =	ssyncadd.s32 $0xFFFFE000  }
0x149: {  	_ =	swait.ge [sflag:s31], $0x2000  }
0x14a: {  	[sflag:s31] =	ssyncset.done $0x0  }
0x14b: {  	[sflag:s31] =	ssyncadd.s32 $0xFFFFE000  }
0x14c: {  	_ =	sfence.sel $0x180000  }
0x14d: {  	[bflag:$0x0] =	sbarrier.arrive $0xFFFF  }
0x14e: {  	_ =	strace $0x90000047  }
0x14f: {  	s0 =	stileid.u32;
	[bflag:$0x2] =	sbarrier.arrive $0xFFFF  }
0x150: {  	p0 =	sne.s32 s0, $0x0;
	s0 =	rddreg [dreg:$0x2]  }
0x151: {  	s0 =	sadd.s32 @!p0 $0x100000, s0  }
0x152: {  	[sflag:s0] =	ssyncadd.tile.s32 @!p0 $0x1;
	_ =	shalt  }
.Lfunc_end2:
_tile_overlayer_lowered:
.L_overlay_start_2:
0x153: {  	(tag) =	ssettag $0x2  }
0x154: {  	s0 =	rddreg [dreg:$0x0];
	s2 =	stileid.u32  }
0x155: {  	s1 =	rddreg [dreg:$0x1];
	p0 =	sne.s32 s2, $0x0  }
0x156: {  	s3 =	rddreg [dreg:$0x2];
	[bflag:$0x3] =	sbarrier.arrive $0xFFFF;
	s2 =	simm.s32 @!p0 $0x1C02  }
0x157: {  	[timem:s3], [sflag:s2] =	dma.local @!p0 [hbm:s0], s1  }
0x158: {  	s0 =	simm.s32 @!p0 $0x2  }
0x159: {  	_ =	swait.ge @!p0 [sflag:s0], s1  }
0x15a: {  	s1 =	ssub.s32 @!p0 $0x0, s1;
	[sflag:s0] =	ssyncset.done @!p0 $0x0  }
0x15b: {  	[sflag:s0] =	ssyncadd.s32 @!p0 s1  }
0x15c: {  	[bflag:$0x3] =	sbarrier.arrive $0xFFFF  }
0x15d: {  	_ =	shalt  }

</sc_bundles>
